<compile_context>
chip_gen: v7x
topology: tpu7x:2x2x1
jax: 0.10.2.dev20260603
libtpu: 0.0.44.dev20260713+nightly
codegen_flags: <defaults>
</compile_context>

<pallas_src>
import functools

import jax
import jax.numpy as jnp
from jax import lax
from jax.experimental import pallas as pl
from jax.experimental.pallas import tpu as pltpu
from jax.experimental.pallas import tpu_sc as plsc

_MARGIN_P = 0.5
_MARGIN_N = 1.5
_EPS = 1e-09

_N = 4096
_D = 128
_ROWS_PER_BLOCK = 128
_GRID = _N // _ROWS_PER_BLOCK


def _tc_body(o1_ref, o2_ref, tgt_ref, nv_ref, sump_ref):
    i = pl.program_id(0)

    @pl.when(i == 0)
    def _init():
        sump_ref[...] = jnp.zeros((1, 128), jnp.float32)

    diff = o2_ref[...] - o1_ref[...]
    d = jnp.sum(diff * diff, axis=1, keepdims=True)
    s = jnp.sqrt(d + _EPS)
    loss_p = 0.5 * jnp.maximum(s - _MARGIN_P, 0.0) ** 2
    loss_n = 0.5 * jnp.maximum(_MARGIN_N - s, 0.0) ** 2
    mask = tgt_ref[...] != 0
    nv_ref[...] = jnp.where(mask, jnp.float32(-1.0), loss_n)
    partial_p = jnp.sum(jnp.where(mask, loss_p, 0.0))
    sump_ref[...] += partial_p


def _tc_losses(o1, o2, tgt2d):
    return pl.pallas_call(
        _tc_body,
        grid=(_GRID,),
        in_specs=[
            pl.BlockSpec((_ROWS_PER_BLOCK, _D), lambda i: (i, 0)),
            pl.BlockSpec((_ROWS_PER_BLOCK, _D), lambda i: (i, 0)),
            pl.BlockSpec((_ROWS_PER_BLOCK, 1), lambda i: (i, 0)),
        ],
        out_specs=[
            pl.BlockSpec((_ROWS_PER_BLOCK, 1), lambda i: (i, 0)),
            pl.BlockSpec((1, 128), lambda i: (0, 0)),
        ],
        out_shape=[
            jax.ShapeDtypeStruct((_N, 1), jnp.float32),
            jax.ShapeDtypeStruct((1, 128), jnp.float32),
        ],
    )(o1, o2, tgt2d)


_CHUNKS = _N // 16
_OUTER = 16


def _sc_body(nv_hbm, sump_hbm, out_hbm, nv_v, sump_v, out_v):
    c = lax.axis_index("c")
    s = lax.axis_index("s")

    @pl.when(jnp.logical_and(c == 0, s == 0))
    def _():
        pltpu.sync_copy(nv_hbm, nv_v)
        pltpu.sync_copy(sump_hbm, sump_v)

        def p1(i, carry):
            mx, cnt = carry
            for j in range(16):
                v = nv_v[pl.ds(i * 256 + j * 16, 16)]
                mx = jnp.maximum(mx, v)
                cnt = cnt + jnp.where(v >= 0.0, 1, 0).astype(jnp.int32)
            return mx, cnt

        mx0 = jnp.full((16,), -1.0, jnp.float32)
        cnt0 = jnp.zeros((16,), jnp.int32)
        mx, cnt = lax.fori_loop(0, _OUTER, p1, (mx0, cnt0))
        maxf = jnp.max(mx)
        n_neg = jnp.sum(cnt)
        num_pos = _N - n_neg
        k = jnp.minimum(jnp.maximum(1, num_pos), n_neg)

        hi0 = lax.bitcast_convert_type(maxf, jnp.int32) + 1
        lo0 = jnp.int32(0)

        def count_ge(t):
            def body(i, acc):
                for j in range(16):
                    v = nv_v[pl.ds(i * 256 + j * 16, 16)]
                    acc = acc + jnp.where(v >= t, 1, 0).astype(jnp.int32)
                return acc

            acc = lax.fori_loop(0, _OUTER, body, jnp.zeros((16,), jnp.int32))
            return jnp.sum(acc)

        def w_cond(st):
            lo, hi = st
            return (hi - lo) > 1

        def w_body(st):
            lo, hi = st
            mid = lo + ((hi - lo) >> 1)
            t = lax.bitcast_convert_type(mid, jnp.float32)
            ge = count_ge(t)
            take = ge >= k
            return jnp.where(take, mid, lo), jnp.where(take, hi, mid)

        t_bits, _ = lax.while_loop(w_cond, w_body, (lo0, hi0))
        t = lax.bitcast_convert_type(t_bits, jnp.float32)

        def p3(i, carry):
            sa, ga = carry
            for j in range(16):
                v = nv_v[pl.ds(i * 256 + j * 16, 16)]
                gt = v > t
                sa = sa + jnp.where(gt, v, 0.0)
                ga = ga + jnp.where(gt, 1, 0).astype(jnp.int32)
            return sa, ga

        sa, ga = lax.fori_loop(
            0, _OUTER, p3,
            (jnp.zeros((16,), jnp.float32), jnp.zeros((16,), jnp.int32)),
        )
        sum_gt = jnp.sum(sa)
        cnt_gt = jnp.sum(ga)
        sum_n = sum_gt + t * (k - cnt_gt).astype(jnp.float32)
        sum_n = jnp.where(n_neg > 0, sum_n, 0.0)

        sum_p = sump_v[pl.ds(0, 16)][0]
        num = jnp.full((16,), sum_p + sum_n, jnp.float32)
        den = jnp.full((16,), (num_pos + k).astype(jnp.float32), jnp.float32)
        out_v[...] = num / den
        pltpu.sync_copy(out_v, out_hbm)


@functools.partial(jax.jit, donate_argnums=())
def _run(output1, output2, target):
    tgt2d = target.reshape(_N, 1)
    nv, sump = _tc_losses(output1, output2, tgt2d)
    sc = pl.kernel(
        _sc_body,
        out_type=jax.ShapeDtypeStruct((16,), jnp.float32),
        mesh=plsc.VectorSubcoreMesh(core_axis_name="c", subcore_axis_name="s"),
        compiler_params=pltpu.CompilerParams(needs_layout_passes=False),
        scratch_types=[
            pltpu.VMEM((_N,), jnp.float32),
            pltpu.VMEM((128,), jnp.float32),
            pltpu.VMEM((16,), jnp.float32),
        ],
    )
    out16 = sc(nv.reshape(_N), sump.reshape(128))
    return out16[0]


def kernel(output1, output2, target):
    return _run(output1, output2, target)

# --- scband reference (transcript-rebuilt; emitter-appended) ---
"""Pipeline reference for scband-double-margin-contrastive-loss-ohem-65292092833963 (READ-ONLY COPY).

The authoritative reference and input builder live on the scoring server;
editing this copy changes nothing except your own understanding.
"""

import jax, jax.numpy as jnp
import numpy as np

MARGIN_P = 0.5
MARGIN_N = 1.5
EPS = 1e-09


def setup_inputs(seed: int = 0) -> dict:
    key = jax.random.key(seed)
    k1, k2, k3 = jax.random.split(key, 3)
    output1 = jax.random.normal(k1, (4096, 128), dtype=jnp.float32)
    output2 = jax.random.normal(k2, (4096, 128), dtype=jnp.float32)
    target = jax.random.randint(k3, (4096,), 0, 2, dtype=jnp.int32)
    return {"output1": output1, "output2": output2, "target": target}


def reference(output1, output2, target):
    # distances = ||o2 - o1||^2 per pair
    distances = jnp.sum((output2 - output1) ** 2, axis=1)
    mask = target.astype(bool)
    n_total = distances.shape[0]
    num_pos = jnp.sum(target)
    n_neg = n_total - num_pos
    # positive-pair loss: 0.5 * relu(sqrt(d + eps) - margin_p)^2
    losses_p_all = 0.5 * jnp.maximum(jnp.sqrt(distances + EPS) - MARGIN_P, 0.0) ** 2
    sum_p = jnp.sum(jnp.where(mask, losses_p_all, 0.0))
    # negative-pair loss: 0.5 * relu(margin_n - sqrt(d + eps))^2
    losses_n_all = 0.5 * jnp.maximum(MARGIN_N - jnp.sqrt(distances + EPS), 0.0) ** 2
    # OHEM: keep top-k hardest negatives, k = min(max(1, num_pos), n_neg)
    num_topk = jnp.minimum(jnp.maximum(1, num_pos), n_neg)
    # sentinel -1.0 sorts strictly below every real loss (losses are >= 0)
    neg_vals = jnp.where(mask, -1.0, losses_n_all)
    sorted_neg = jax.lax.top_k(neg_vals, n_total)[0]
    keep = jnp.arange(n_total) < num_topk
    sum_n = jnp.sum(jnp.where(keep, sorted_neg, 0.0))
    count = (num_pos + num_topk).astype(distances.dtype)
    return (sum_p + sum_n) / count

if __name__ == "__main__":
    import jax
    _d = setup_inputs()
    print(jax.jit(kernel)(*tuple(_d.values())))

</pallas_src>

<mosaic_0001>
#map = affine_map<(d0, d1) -> (0)>
module attributes {stable_mosaic.version = 14 : i64} {
  func.func @_sc_body(%arg0: i32, %arg1: i32, %arg2: memref<4096xf32, #tpu.memory_space<hbm>>, %arg3: memref<128xf32, #tpu.memory_space<hbm>>, %arg4: memref<16xf32, #tpu.memory_space<hbm>>, %arg5: memref<4096xf32, #tpu.memory_space<vmem>>, %arg6: memref<128xf32, #tpu.memory_space<vmem>>, %arg7: memref<16xf32, #tpu.memory_space<vmem>>) attributes {dimension_semantics = [#tpu.dimension_semantics<core_parallel>, #tpu.dimension_semantics<subcore_parallel>], iteration_bounds = array<i64: 2, 16>, scalar_prefetch = 0 : i64, scratch_operands = 3 : i64, tpu.core_type = #tpu.core_type<sc_vector_subcore>, window_params = [{transform_indices = #map}, {transform_indices = #map}, {transform_indices = #map}]} {
    %eq3A = arith.constant 0 : i32
    %eq3A_0 = arith.cmpi eq, %arg0, %eq3A : i32
    %eq3A_1 = arith.constant 0 : i32
    %eq3A_2 = arith.cmpi eq, %arg1, %eq3A_1 : i32
    %and3A = arith.andi %eq3A_0, %eq3A_2 : i1
    %convert_element_type3A = arith.extui %and3A : i1 to i32
    %cond3A = arith.constant 0 : i32
    %cond3A_3 = arith.cmpi ne, %convert_element_type3A, %cond3A : i32
    scf.if %cond3A_3 {
      "tpu.region"() ({
        %run_scoped3A = tpu.sem_alloc : memref<!tpu.dma_semaphore, #tpu.memory_space<semaphore_mem>>
        tpu.enqueue_dma source(%arg2 : memref<4096xf32, #tpu.memory_space<hbm>>) target(%arg5 : memref<4096xf32, #tpu.memory_space<vmem>>) target_semaphore(%run_scoped3A : memref<!tpu.dma_semaphore, #tpu.memory_space<semaphore_mem>>)
        tpu.wait_dma2 semaphore(%run_scoped3A : memref<!tpu.dma_semaphore, #tpu.memory_space<semaphore_mem>>) src(%arg2 : memref<4096xf32, #tpu.memory_space<hbm>>) dst(%arg5 : memref<4096xf32, #tpu.memory_space<vmem>>)
        tpu.yield
      }) : () -> ()
      "tpu.region"() ({
        %run_scoped3A = tpu.sem_alloc : memref<!tpu.dma_semaphore, #tpu.memory_space<semaphore_mem>>
        tpu.enqueue_dma source(%arg3 : memref<128xf32, #tpu.memory_space<hbm>>) target(%arg6 : memref<128xf32, #tpu.memory_space<vmem>>) target_semaphore(%run_scoped3A : memref<!tpu.dma_semaphore, #tpu.memory_space<semaphore_mem>>)
        tpu.wait_dma2 semaphore(%run_scoped3A : memref<!tpu.dma_semaphore, #tpu.memory_space<semaphore_mem>>) src(%arg3 : memref<128xf32, #tpu.memory_space<hbm>>) dst(%arg6 : memref<128xf32, #tpu.memory_space<vmem>>)
        tpu.yield
      }) : () -> ()
      %broadcast_in_dim3A = arith.constant -1.000000e+00 : f32
      %broadcast_in_dim3A_4 = vector.broadcast %broadcast_in_dim3A : f32 to vector<16xf32>
      %broadcast_in_dim3A_5 = arith.constant 0 : i32
      %broadcast_in_dim3A_6 = vector.broadcast %broadcast_in_dim3A_5 : i32 to vector<16xi32>
      %scan3A = arith.constant 0 : i32
      %scan3A_7 = arith.constant 16 : i32
      %scan3A_8 = arith.addi %scan3A, %scan3A_7 : i32
      %scan3A_9 = arith.constant 1 : i32
      %scan3A_10:2 = scf.for %scan3A_52 = %scan3A to %scan3A_8 step %scan3A_9 iter_args(%scan3A_53 = %broadcast_in_dim3A_4, %scan3A_54 = %broadcast_in_dim3A_6) -> (vector<16xf32>, vector<16xi32>)  : i32 {
        %mul3A_55 = arith.constant 256 : i32
        %mul3A_56 = arith.muli %scan3A_52, %mul3A_55 : i32
        %add3A_57 = arith.constant 0 : i32
        %add3A_58 = arith.addi %mul3A_56, %add3A_57 : i32
        %get3A_59 = arith.index_cast %add3A_58 : i32 to index
        %get3A_60 = tpu.vector_load %arg5[%get3A_59] {strides = array<i32>} : memref<4096xf32, #tpu.memory_space<vmem>>, vector<16xf32>,
        %max3A_61 = arith.maximumf %scan3A_53, %get3A_60 : vector<16xf32>
        %ge3A = arith.constant 0.000000e+00 : f32
        %ge3A_62 = vector.broadcast %ge3A : f32 to vector<16xf32>
        %ge3A_63 = arith.cmpf oge, %get3A_60, %ge3A_62 : vector<16xf32>
        %jit3A_64 = arith.constant 1 : i32
        %jit3A_65 = arith.constant 0 : i32
        %broadcast_in_dim3A_66 = vector.broadcast %jit3A_64 : i32 to vector<16xi32>
        %broadcast_in_dim3A_67 = vector.broadcast %jit3A_65 : i32 to vector<16xi32>
        %select_n3A_68 = arith.select %ge3A_63, %broadcast_in_dim3A_66, %broadcast_in_dim3A_67 : vector<16xi1>, vector<16xi32>
        %add3A_69 = arith.addi %scan3A_54, %select_n3A_68 : vector<16xi32>
        %mul3A_70 = arith.constant 256 : i32
        %mul3A_71 = arith.muli %scan3A_52, %mul3A_70 : i32
        %add3A_72 = arith.constant 16 : i32
        %add3A_73 = arith.addi %mul3A_71, %add3A_72 : i32
        %get3A_74 = arith.index_cast %add3A_73 : i32 to index
        %get3A_75 = tpu.vector_load %arg5[%get3A_74] {strides = array<i32>} : memref<4096xf32, #tpu.memory_space<vmem>>, vector<16xf32>,
        %max3A_76 = arith.maximumf %max3A_61, %get3A_75 : vector<16xf32>
        %ge3A_77 = arith.constant 0.000000e+00 : f32
        %ge3A_78 = vector.broadcast %ge3A_77 : f32 to vector<16xf32>
        %ge3A_79 = arith.cmpf oge, %get3A_75, %ge3A_78 : vector<16xf32>
        %jit3A_80 = arith.constant 1 : i32
        %jit3A_81 = arith.constant 0 : i32
        %broadcast_in_dim3A_82 = vector.broadcast %jit3A_80 : i32 to vector<16xi32>
        %broadcast_in_dim3A_83 = vector.broadcast %jit3A_81 : i32 to vector<16xi32>
        %select_n3A_84 = arith.select %ge3A_79, %broadcast_in_dim3A_82, %broadcast_in_dim3A_83 : vector<16xi1>, vector<16xi32>
        %add3A_85 = arith.addi %add3A_69, %select_n3A_84 : vector<16xi32>
        %mul3A_86 = arith.constant 256 : i32
        %mul3A_87 = arith.muli %scan3A_52, %mul3A_86 : i32
        %add3A_88 = arith.constant 32 : i32
        %add3A_89 = arith.addi %mul3A_87, %add3A_88 : i32
        %get3A_90 = arith.index_cast %add3A_89 : i32 to index
        %get3A_91 = tpu.vector_load %arg5[%get3A_90] {strides = array<i32>} : memref<4096xf32, #tpu.memory_space<vmem>>, vector<16xf32>,
        %max3A_92 = arith.maximumf %max3A_76, %get3A_91 : vector<16xf32>
        %ge3A_93 = arith.constant 0.000000e+00 : f32
        %ge3A_94 = vector.broadcast %ge3A_93 : f32 to vector<16xf32>
        %ge3A_95 = arith.cmpf oge, %get3A_91, %ge3A_94 : vector<16xf32>
        %jit3A_96 = arith.constant 1 : i32
        %jit3A_97 = arith.constant 0 : i32
        %broadcast_in_dim3A_98 = vector.broadcast %jit3A_96 : i32 to vector<16xi32>
        %broadcast_in_dim3A_99 = vector.broadcast %jit3A_97 : i32 to vector<16xi32>
        %select_n3A_100 = arith.select %ge3A_95, %broadcast_in_dim3A_98, %broadcast_in_dim3A_99 : vector<16xi1>, vector<16xi32>
        %add3A_101 = arith.addi %add3A_85, %select_n3A_100 : vector<16xi32>
        %mul3A_102 = arith.constant 256 : i32
        %mul3A_103 = arith.muli %scan3A_52, %mul3A_102 : i32
        %add3A_104 = arith.constant 48 : i32
        %add3A_105 = arith.addi %mul3A_103, %add3A_104 : i32
        %get3A_106 = arith.index_cast %add3A_105 : i32 to index
        %get3A_107 = tpu.vector_load %arg5[%get3A_106] {strides = array<i32>} : memref<4096xf32, #tpu.memory_space<vmem>>, vector<16xf32>,
        %max3A_108 = arith.maximumf %max3A_92, %get3A_107 : vector<16xf32>
        %ge3A_109 = arith.constant 0.000000e+00 : f32
        %ge3A_110 = vector.broadcast %ge3A_109 : f32 to vector<16xf32>
        %ge3A_111 = arith.cmpf oge, %get3A_107, %ge3A_110 : vector<16xf32>
        %jit3A_112 = arith.constant 1 : i32
        %jit3A_113 = arith.constant 0 : i32
        %broadcast_in_dim3A_114 = vector.broadcast %jit3A_112 : i32 to vector<16xi32>
        %broadcast_in_dim3A_115 = vector.broadcast %jit3A_113 : i32 to vector<16xi32>
        %select_n3A_116 = arith.select %ge3A_111, %broadcast_in_dim3A_114, %broadcast_in_dim3A_115 : vector<16xi1>, vector<16xi32>
        %add3A_117 = arith.addi %add3A_101, %select_n3A_116 : vector<16xi32>
        %mul3A_118 = arith.constant 256 : i32
        %mul3A_119 = arith.muli %scan3A_52, %mul3A_118 : i32
        %add3A_120 = arith.constant 64 : i32
        %add3A_121 = arith.addi %mul3A_119, %add3A_120 : i32
        %get3A_122 = arith.index_cast %add3A_121 : i32 to index
        %get3A_123 = tpu.vector_load %arg5[%get3A_122] {strides = array<i32>} : memref<4096xf32, #tpu.memory_space<vmem>>, vector<16xf32>,
        %max3A_124 = arith.maximumf %max3A_108, %get3A_123 : vector<16xf32>
        %ge3A_125 = arith.constant 0.000000e+00 : f32
        %ge3A_126 = vector.broadcast %ge3A_125 : f32 to vector<16xf32>
        %ge3A_127 = arith.cmpf oge, %get3A_123, %ge3A_126 : vector<16xf32>
        %jit3A_128 = arith.constant 1 : i32
        %jit3A_129 = arith.constant 0 : i32
        %broadcast_in_dim3A_130 = vector.broadcast %jit3A_128 : i32 to vector<16xi32>
        %broadcast_in_dim3A_131 = vector.broadcast %jit3A_129 : i32 to vector<16xi32>
        %select_n3A_132 = arith.select %ge3A_127, %broadcast_in_dim3A_130, %broadcast_in_dim3A_131 : vector<16xi1>, vector<16xi32>
        %add3A_133 = arith.addi %add3A_117, %select_n3A_132 : vector<16xi32>
        %mul3A_134 = arith.constant 256 : i32
        %mul3A_135 = arith.muli %scan3A_52, %mul3A_134 : i32
        %add3A_136 = arith.constant 80 : i32
        %add3A_137 = arith.addi %mul3A_135, %add3A_136 : i32
        %get3A_138 = arith.index_cast %add3A_137 : i32 to index
        %get3A_139 = tpu.vector_load %arg5[%get3A_138] {strides = array<i32>} : memref<4096xf32, #tpu.memory_space<vmem>>, vector<16xf32>,
        %max3A_140 = arith.maximumf %max3A_124, %get3A_139 : vector<16xf32>
        %ge3A_141 = arith.constant 0.000000e+00 : f32
        %ge3A_142 = vector.broadcast %ge3A_141 : f32 to vector<16xf32>
        %ge3A_143 = arith.cmpf oge, %get3A_139, %ge3A_142 : vector<16xf32>
        %jit3A_144 = arith.constant 1 : i32
        %jit3A_145 = arith.constant 0 : i32
        %broadcast_in_dim3A_146 = vector.broadcast %jit3A_144 : i32 to vector<16xi32>
        %broadcast_in_dim3A_147 = vector.broadcast %jit3A_145 : i32 to vector<16xi32>
        %select_n3A_148 = arith.select %ge3A_143, %broadcast_in_dim3A_146, %broadcast_in_dim3A_147 : vector<16xi1>, vector<16xi32>
        %add3A_149 = arith.addi %add3A_133, %select_n3A_148 : vector<16xi32>
        %mul3A_150 = arith.constant 256 : i32
        %mul3A_151 = arith.muli %scan3A_52, %mul3A_150 : i32
        %add3A_152 = arith.constant 96 : i32
        %add3A_153 = arith.addi %mul3A_151, %add3A_152 : i32
        %get3A_154 = arith.index_cast %add3A_153 : i32 to index
        %get3A_155 = tpu.vector_load %arg5[%get3A_154] {strides = array<i32>} : memref<4096xf32, #tpu.memory_space<vmem>>, vector<16xf32>,
        %max3A_156 = arith.maximumf %max3A_140, %get3A_155 : vector<16xf32>
        %ge3A_157 = arith.constant 0.000000e+00 : f32
        %ge3A_158 = vector.broadcast %ge3A_157 : f32 to vector<16xf32>
        %ge3A_159 = arith.cmpf oge, %get3A_155, %ge3A_158 : vector<16xf32>
        %jit3A_160 = arith.constant 1 : i32
        %jit3A_161 = arith.constant 0 : i32
        %broadcast_in_dim3A_162 = vector.broadcast %jit3A_160 : i32 to vector<16xi32>
        %broadcast_in_dim3A_163 = vector.broadcast %jit3A_161 : i32 to vector<16xi32>
        %select_n3A_164 = arith.select %ge3A_159, %broadcast_in_dim3A_162, %broadcast_in_dim3A_163 : vector<16xi1>, vector<16xi32>
        %add3A_165 = arith.addi %add3A_149, %select_n3A_164 : vector<16xi32>
        %mul3A_166 = arith.constant 256 : i32
        %mul3A_167 = arith.muli %scan3A_52, %mul3A_166 : i32
        %add3A_168 = arith.constant 112 : i32
        %add3A_169 = arith.addi %mul3A_167, %add3A_168 : i32
        %get3A_170 = arith.index_cast %add3A_169 : i32 to index
        %get3A_171 = tpu.vector_load %arg5[%get3A_170] {strides = array<i32>} : memref<4096xf32, #tpu.memory_space<vmem>>, vector<16xf32>,
        %max3A_172 = arith.maximumf %max3A_156, %get3A_171 : vector<16xf32>
        %ge3A_173 = arith.constant 0.000000e+00 : f32
        %ge3A_174 = vector.broadcast %ge3A_173 : f32 to vector<16xf32>
        %ge3A_175 = arith.cmpf oge, %get3A_171, %ge3A_174 : vector<16xf32>
        %jit3A_176 = arith.constant 1 : i32
        %jit3A_177 = arith.constant 0 : i32
        %broadcast_in_dim3A_178 = vector.broadcast %jit3A_176 : i32 to vector<16xi32>
        %broadcast_in_dim3A_179 = vector.broadcast %jit3A_177 : i32 to vector<16xi32>
        %select_n3A_180 = arith.select %ge3A_175, %broadcast_in_dim3A_178, %broadcast_in_dim3A_179 : vector<16xi1>, vector<16xi32>
        %add3A_181 = arith.addi %add3A_165, %select_n3A_180 : vector<16xi32>
        %mul3A_182 = arith.constant 256 : i32
        %mul3A_183 = arith.muli %scan3A_52, %mul3A_182 : i32
        %add3A_184 = arith.constant 128 : i32
        %add3A_185 = arith.addi %mul3A_183, %add3A_184 : i32
        %get3A_186 = arith.index_cast %add3A_185 : i32 to index
        %get3A_187 = tpu.vector_load %arg5[%get3A_186] {strides = array<i32>} : memref<4096xf32, #tpu.memory_space<vmem>>, vector<16xf32>,
        %max3A_188 = arith.maximumf %max3A_172, %get3A_187 : vector<16xf32>
        %ge3A_189 = arith.constant 0.000000e+00 : f32
        %ge3A_190 = vector.broadcast %ge3A_189 : f32 to vector<16xf32>
        %ge3A_191 = arith.cmpf oge, %get3A_187, %ge3A_190 : vector<16xf32>
        %jit3A_192 = arith.constant 1 : i32
        %jit3A_193 = arith.constant 0 : i32
        %broadcast_in_dim3A_194 = vector.broadcast %jit3A_192 : i32 to vector<16xi32>
        %broadcast_in_dim3A_195 = vector.broadcast %jit3A_193 : i32 to vector<16xi32>
        %select_n3A_196 = arith.select %ge3A_191, %broadcast_in_dim3A_194, %broadcast_in_dim3A_195 : vector<16xi1>, vector<16xi32>
        %add3A_197 = arith.addi %add3A_181, %select_n3A_196 : vector<16xi32>
        %mul3A_198 = arith.constant 256 : i32
        %mul3A_199 = arith.muli %scan3A_52, %mul3A_198 : i32
        %add3A_200 = arith.constant 144 : i32
        %add3A_201 = arith.addi %mul3A_199, %add3A_200 : i32
        %get3A_202 = arith.index_cast %add3A_201 : i32 to index
        %get3A_203 = tpu.vector_load %arg5[%get3A_202] {strides = array<i32>} : memref<4096xf32, #tpu.memory_space<vmem>>, vector<16xf32>,
        %max3A_204 = arith.maximumf %max3A_188, %get3A_203 : vector<16xf32>
        %ge3A_205 = arith.constant 0.000000e+00 : f32
        %ge3A_206 = vector.broadcast %ge3A_205 : f32 to vector<16xf32>
        %ge3A_207 = arith.cmpf oge, %get3A_203, %ge3A_206 : vector<16xf32>
        %jit3A_208 = arith.constant 1 : i32
        %jit3A_209 = arith.constant 0 : i32
        %broadcast_in_dim3A_210 = vector.broadcast %jit3A_208 : i32 to vector<16xi32>
        %broadcast_in_dim3A_211 = vector.broadcast %jit3A_209 : i32 to vector<16xi32>
        %select_n3A_212 = arith.select %ge3A_207, %broadcast_in_dim3A_210, %broadcast_in_dim3A_211 : vector<16xi1>, vector<16xi32>
        %add3A_213 = arith.addi %add3A_197, %select_n3A_212 : vector<16xi32>
        %mul3A_214 = arith.constant 256 : i32
        %mul3A_215 = arith.muli %scan3A_52, %mul3A_214 : i32
        %add3A_216 = arith.constant 160 : i32
        %add3A_217 = arith.addi %mul3A_215, %add3A_216 : i32
        %get3A_218 = arith.index_cast %add3A_217 : i32 to index
        %get3A_219 = tpu.vector_load %arg5[%get3A_218] {strides = array<i32>} : memref<4096xf32, #tpu.memory_space<vmem>>, vector<16xf32>,
        %max3A_220 = arith.maximumf %max3A_204, %get3A_219 : vector<16xf32>
        %ge3A_221 = arith.constant 0.000000e+00 : f32
        %ge3A_222 = vector.broadcast %ge3A_221 : f32 to vector<16xf32>
        %ge3A_223 = arith.cmpf oge, %get3A_219, %ge3A_222 : vector<16xf32>
        %jit3A_224 = arith.constant 1 : i32
        %jit3A_225 = arith.constant 0 : i32
        %broadcast_in_dim3A_226 = vector.broadcast %jit3A_224 : i32 to vector<16xi32>
        %broadcast_in_dim3A_227 = vector.broadcast %jit3A_225 : i32 to vector<16xi32>
        %select_n3A_228 = arith.select %ge3A_223, %broadcast_in_dim3A_226, %broadcast_in_dim3A_227 : vector<16xi1>, vector<16xi32>
        %add3A_229 = arith.addi %add3A_213, %select_n3A_228 : vector<16xi32>
        %mul3A_230 = arith.constant 256 : i32
        %mul3A_231 = arith.muli %scan3A_52, %mul3A_230 : i32
        %add3A_232 = arith.constant 176 : i32
        %add3A_233 = arith.addi %mul3A_231, %add3A_232 : i32
        %get3A_234 = arith.index_cast %add3A_233 : i32 to index
        %get3A_235 = tpu.vector_load %arg5[%get3A_234] {strides = array<i32>} : memref<4096xf32, #tpu.memory_space<vmem>>, vector<16xf32>,
        %max3A_236 = arith.maximumf %max3A_220, %get3A_235 : vector<16xf32>
        %ge3A_237 = arith.constant 0.000000e+00 : f32
        %ge3A_238 = vector.broadcast %ge3A_237 : f32 to vector<16xf32>
        %ge3A_239 = arith.cmpf oge, %get3A_235, %ge3A_238 : vector<16xf32>
        %jit3A_240 = arith.constant 1 : i32
        %jit3A_241 = arith.constant 0 : i32
        %broadcast_in_dim3A_242 = vector.broadcast %jit3A_240 : i32 to vector<16xi32>
        %broadcast_in_dim3A_243 = vector.broadcast %jit3A_241 : i32 to vector<16xi32>
        %select_n3A_244 = arith.select %ge3A_239, %broadcast_in_dim3A_242, %broadcast_in_dim3A_243 : vector<16xi1>, vector<16xi32>
        %add3A_245 = arith.addi %add3A_229, %select_n3A_244 : vector<16xi32>
        %mul3A_246 = arith.constant 256 : i32
        %mul3A_247 = arith.muli %scan3A_52, %mul3A_246 : i32
        %add3A_248 = arith.constant 192 : i32
        %add3A_249 = arith.addi %mul3A_247, %add3A_248 : i32
        %get3A_250 = arith.index_cast %add3A_249 : i32 to index
        %get3A_251 = tpu.vector_load %arg5[%get3A_250] {strides = array<i32>} : memref<4096xf32, #tpu.memory_space<vmem>>, vector<16xf32>,
        %max3A_252 = arith.maximumf %max3A_236, %get3A_251 : vector<16xf32>
        %ge3A_253 = arith.constant 0.000000e+00 : f32
        %ge3A_254 = vector.broadcast %ge3A_253 : f32 to vector<16xf32>
        %ge3A_255 = arith.cmpf oge, %get3A_251, %ge3A_254 : vector<16xf32>
        %jit3A_256 = arith.constant 1 : i32
        %jit3A_257 = arith.constant 0 : i32
        %broadcast_in_dim3A_258 = vector.broadcast %jit3A_256 : i32 to vector<16xi32>
        %broadcast_in_dim3A_259 = vector.broadcast %jit3A_257 : i32 to vector<16xi32>
        %select_n3A_260 = arith.select %ge3A_255, %broadcast_in_dim3A_258, %broadcast_in_dim3A_259 : vector<16xi1>, vector<16xi32>
        %add3A_261 = arith.addi %add3A_245, %select_n3A_260 : vector<16xi32>
        %mul3A_262 = arith.constant 256 : i32
        %mul3A_263 = arith.muli %scan3A_52, %mul3A_262 : i32
        %add3A_264 = arith.constant 208 : i32
        %add3A_265 = arith.addi %mul3A_263, %add3A_264 : i32
        %get3A_266 = arith.index_cast %add3A_265 : i32 to index
        %get3A_267 = tpu.vector_load %arg5[%get3A_266] {strides = array<i32>} : memref<4096xf32, #tpu.memory_space<vmem>>, vector<16xf32>,
        %max3A_268 = arith.maximumf %max3A_252, %get3A_267 : vector<16xf32>
        %ge3A_269 = arith.constant 0.000000e+00 : f32
        %ge3A_270 = vector.broadcast %ge3A_269 : f32 to vector<16xf32>
        %ge3A_271 = arith.cmpf oge, %get3A_267, %ge3A_270 : vector<16xf32>
        %jit3A_272 = arith.constant 1 : i32
        %jit3A_273 = arith.constant 0 : i32
        %broadcast_in_dim3A_274 = vector.broadcast %jit3A_272 : i32 to vector<16xi32>
        %broadcast_in_dim3A_275 = vector.broadcast %jit3A_273 : i32 to vector<16xi32>
        %select_n3A_276 = arith.select %ge3A_271, %broadcast_in_dim3A_274, %broadcast_in_dim3A_275 : vector<16xi1>, vector<16xi32>
        %add3A_277 = arith.addi %add3A_261, %select_n3A_276 : vector<16xi32>
        %mul3A_278 = arith.constant 256 : i32
        %mul3A_279 = arith.muli %scan3A_52, %mul3A_278 : i32
        %add3A_280 = arith.constant 224 : i32
        %add3A_281 = arith.addi %mul3A_279, %add3A_280 : i32
        %get3A_282 = arith.index_cast %add3A_281 : i32 to index
        %get3A_283 = tpu.vector_load %arg5[%get3A_282] {strides = array<i32>} : memref<4096xf32, #tpu.memory_space<vmem>>, vector<16xf32>,
        %max3A_284 = arith.maximumf %max3A_268, %get3A_283 : vector<16xf32>
        %ge3A_285 = arith.constant 0.000000e+00 : f32
        %ge3A_286 = vector.broadcast %ge3A_285 : f32 to vector<16xf32>
        %ge3A_287 = arith.cmpf oge, %get3A_283, %ge3A_286 : vector<16xf32>
        %jit3A_288 = arith.constant 1 : i32
        %jit3A_289 = arith.constant 0 : i32
        %broadcast_in_dim3A_290 = vector.broadcast %jit3A_288 : i32 to vector<16xi32>
        %broadcast_in_dim3A_291 = vector.broadcast %jit3A_289 : i32 to vector<16xi32>
        %select_n3A_292 = arith.select %ge3A_287, %broadcast_in_dim3A_290, %broadcast_in_dim3A_291 : vector<16xi1>, vector<16xi32>
        %add3A_293 = arith.addi %add3A_277, %select_n3A_292 : vector<16xi32>
        %mul3A_294 = arith.constant 256 : i32
        %mul3A_295 = arith.muli %scan3A_52, %mul3A_294 : i32
        %add3A_296 = arith.constant 240 : i32
        %add3A_297 = arith.addi %mul3A_295, %add3A_296 : i32
        %get3A_298 = arith.index_cast %add3A_297 : i32 to index
        %get3A_299 = tpu.vector_load %arg5[%get3A_298] {strides = array<i32>} : memref<4096xf32, #tpu.memory_space<vmem>>, vector<16xf32>,
        %max3A_300 = arith.maximumf %max3A_284, %get3A_299 : vector<16xf32>
        %ge3A_301 = arith.constant 0.000000e+00 : f32
        %ge3A_302 = vector.broadcast %ge3A_301 : f32 to vector<16xf32>
        %ge3A_303 = arith.cmpf oge, %get3A_299, %ge3A_302 : vector<16xf32>
        %jit3A_304 = arith.constant 1 : i32
        %jit3A_305 = arith.constant 0 : i32
        %broadcast_in_dim3A_306 = vector.broadcast %jit3A_304 : i32 to vector<16xi32>
        %broadcast_in_dim3A_307 = vector.broadcast %jit3A_305 : i32 to vector<16xi32>
        %select_n3A_308 = arith.select %ge3A_303, %broadcast_in_dim3A_306, %broadcast_in_dim3A_307 : vector<16xi1>, vector<16xi32>
        %add3A_309 = arith.addi %add3A_293, %select_n3A_308 : vector<16xi32>
        scf.yield %max3A_300, %add3A_309 : vector<16xf32>, vector<16xi32>
      }
      %scan3A_11 = arith.constant 16 : i32
      %reduce_max3A = arith.constant true
      %reduce_max3A_12 = vector.broadcast %reduce_max3A : i1 to vector<16xi1>
      %reduce_max3A_13 = tpu.scan <max>, %scan3A_10#0 masked %reduce_max3A_12 : vector<16xf32>, vector<16xi1> -> vector<16xf32>
      %reduce_max3A_14 = vector.extract %reduce_max3A_13[15] : f32 from vector<16xf32>
      %reduce_sum3A = arith.constant true
      %reduce_sum3A_15 = vector.broadcast %reduce_sum3A : i1 to vector<16xi1>
      %reduce_sum3A_16 = tpu.scan <sum>, %scan3A_10#1 masked %reduce_sum3A_15 : vector<16xi32>, vector<16xi1> -> vector<16xi32>
      %reduce_sum3A_17 = vector.extract %reduce_sum3A_16[15] : i32 from vector<16xi32>
      %sub3A = arith.constant 4096 : i32
      %sub3A_18 = arith.subi %sub3A, %reduce_sum3A_17 : i32
      %max3A = arith.constant 1 : i32
      %max3A_19 = arith.maxsi %max3A, %sub3A_18 : i32
      %min3A = arith.minsi %max3A_19, %reduce_sum3A_17 : i32
      %bitcast_convert_type3A = arith.bitcast %reduce_max3A_14 : f32 to i32
      %add3A = arith.constant 1 : i32
      %add3A_20 = arith.addi %bitcast_convert_type3A, %add3A : i32
      %while3A = arith.constant 0 : i32
      %while3A_21:2 = scf.while (%while3A_52 = %while3A, %while3A_53 = %add3A_20) : (i32, i32) -> (i32, i32) {
        %sub3A_54 = arith.subi %while3A_53, %while3A_52 : i32
        %gt3A_55 = arith.constant 1 : i32
        %gt3A_56 = arith.cmpi sgt, %sub3A_54, %gt3A_55 : i32
        scf.condition(%gt3A_56) %while3A_52, %while3A_53 : i32, i32
      } do {
      ^bb0(%while3A_52: i32, %while3A_53: i32):
        %sub3A_54 = arith.subi %while3A_53, %while3A_52 : i32
        %shift_right_arithmetic3A = arith.constant 1 : i32
        %shift_right_arithmetic3A_55 = arith.shrsi %sub3A_54, %shift_right_arithmetic3A : i32
        %add3A_56 = arith.addi %while3A_52, %shift_right_arithmetic3A_55 : i32
        %bitcast_convert_type3A_57 = arith.bitcast %add3A_56 : i32 to f32
        %broadcast_in_dim3A_58 = arith.constant 0 : i32
        %broadcast_in_dim3A_59 = vector.broadcast %broadcast_in_dim3A_58 : i32 to vector<16xi32>
        %scan3A_60 = arith.constant 0 : i32
        %scan3A_61 = arith.constant 16 : i32
        %scan3A_62 = arith.addi %scan3A_60, %scan3A_61 : i32
        %scan3A_63 = arith.constant 1 : i32
        %scan3A_64 = scf.for %scan3A_72 = %scan3A_60 to %scan3A_62 step %scan3A_63 iter_args(%scan3A_73 = %broadcast_in_dim3A_59) -> (vector<16xi32>)  : i32 {
          %mul3A_74 = arith.constant 256 : i32
          %mul3A_75 = arith.muli %scan3A_72, %mul3A_74 : i32
          %add3A_76 = arith.constant 0 : i32
          %add3A_77 = arith.addi %mul3A_75, %add3A_76 : i32
          %get3A_78 = arith.index_cast %add3A_77 : i32 to index
          %get3A_79 = tpu.vector_load %arg5[%get3A_78] {strides = array<i32>} : memref<4096xf32, #tpu.memory_space<vmem>>, vector<16xf32>,
          %ge3A_80 = vector.broadcast %bitcast_convert_type3A_57 : f32 to vector<16xf32>
          %ge3A_81 = arith.cmpf oge, %get3A_79, %ge3A_80 : vector<16xf32>
          %jit3A_82 = arith.constant 1 : i32
          %jit3A_83 = arith.constant 0 : i32
          %broadcast_in_dim3A_84 = vector.broadcast %jit3A_82 : i32 to vector<16xi32>
          %broadcast_in_dim3A_85 = vector.broadcast %jit3A_83 : i32 to vector<16xi32>
          %select_n3A_86 = arith.select %ge3A_81, %broadcast_in_dim3A_84, %broadcast_in_dim3A_85 : vector<16xi1>, vector<16xi32>
          %add3A_87 = arith.addi %scan3A_73, %select_n3A_86 : vector<16xi32>
          %mul3A_88 = arith.constant 256 : i32
          %mul3A_89 = arith.muli %scan3A_72, %mul3A_88 : i32
          %add3A_90 = arith.constant 16 : i32
          %add3A_91 = arith.addi %mul3A_89, %add3A_90 : i32
          %get3A_92 = arith.index_cast %add3A_91 : i32 to index
          %get3A_93 = tpu.vector_load %arg5[%get3A_92] {strides = array<i32>} : memref<4096xf32, #tpu.memory_space<vmem>>, vector<16xf32>,
          %ge3A_94 = vector.broadcast %bitcast_convert_type3A_57 : f32 to vector<16xf32>
          %ge3A_95 = arith.cmpf oge, %get3A_93, %ge3A_94 : vector<16xf32>
          %jit3A_96 = arith.constant 1 : i32
          %jit3A_97 = arith.constant 0 : i32
          %broadcast_in_dim3A_98 = vector.broadcast %jit3A_96 : i32 to vector<16xi32>
          %broadcast_in_dim3A_99 = vector.broadcast %jit3A_97 : i32 to vector<16xi32>
          %select_n3A_100 = arith.select %ge3A_95, %broadcast_in_dim3A_98, %broadcast_in_dim3A_99 : vector<16xi1>, vector<16xi32>
          %add3A_101 = arith.addi %add3A_87, %select_n3A_100 : vector<16xi32>
          %mul3A_102 = arith.constant 256 : i32
          %mul3A_103 = arith.muli %scan3A_72, %mul3A_102 : i32
          %add3A_104 = arith.constant 32 : i32
          %add3A_105 = arith.addi %mul3A_103, %add3A_104 : i32
          %get3A_106 = arith.index_cast %add3A_105 : i32 to index
          %get3A_107 = tpu.vector_load %arg5[%get3A_106] {strides = array<i32>} : memref<4096xf32, #tpu.memory_space<vmem>>, vector<16xf32>,
          %ge3A_108 = vector.broadcast %bitcast_convert_type3A_57 : f32 to vector<16xf32>
          %ge3A_109 = arith.cmpf oge, %get3A_107, %ge3A_108 : vector<16xf32>
          %jit3A_110 = arith.constant 1 : i32
          %jit3A_111 = arith.constant 0 : i32
          %broadcast_in_dim3A_112 = vector.broadcast %jit3A_110 : i32 to vector<16xi32>
          %broadcast_in_dim3A_113 = vector.broadcast %jit3A_111 : i32 to vector<16xi32>
          %select_n3A_114 = arith.select %ge3A_109, %broadcast_in_dim3A_112, %broadcast_in_dim3A_113 : vector<16xi1>, vector<16xi32>
          %add3A_115 = arith.addi %add3A_101, %select_n3A_114 : vector<16xi32>
          %mul3A_116 = arith.constant 256 : i32
          %mul3A_117 = arith.muli %scan3A_72, %mul3A_116 : i32
          %add3A_118 = arith.constant 48 : i32
          %add3A_119 = arith.addi %mul3A_117, %add3A_118 : i32
          %get3A_120 = arith.index_cast %add3A_119 : i32 to index
          %get3A_121 = tpu.vector_load %arg5[%get3A_120] {strides = array<i32>} : memref<4096xf32, #tpu.memory_space<vmem>>, vector<16xf32>,
          %ge3A_122 = vector.broadcast %bitcast_convert_type3A_57 : f32 to vector<16xf32>
          %ge3A_123 = arith.cmpf oge, %get3A_121, %ge3A_122 : vector<16xf32>
          %jit3A_124 = arith.constant 1 : i32
          %jit3A_125 = arith.constant 0 : i32
          %broadcast_in_dim3A_126 = vector.broadcast %jit3A_124 : i32 to vector<16xi32>
          %broadcast_in_dim3A_127 = vector.broadcast %jit3A_125 : i32 to vector<16xi32>
          %select_n3A_128 = arith.select %ge3A_123, %broadcast_in_dim3A_126, %broadcast_in_dim3A_127 : vector<16xi1>, vector<16xi32>
          %add3A_129 = arith.addi %add3A_115, %select_n3A_128 : vector<16xi32>
          %mul3A_130 = arith.constant 256 : i32
          %mul3A_131 = arith.muli %scan3A_72, %mul3A_130 : i32
          %add3A_132 = arith.constant 64 : i32
          %add3A_133 = arith.addi %mul3A_131, %add3A_132 : i32
          %get3A_134 = arith.index_cast %add3A_133 : i32 to index
          %get3A_135 = tpu.vector_load %arg5[%get3A_134] {strides = array<i32>} : memref<4096xf32, #tpu.memory_space<vmem>>, vector<16xf32>,
          %ge3A_136 = vector.broadcast %bitcast_convert_type3A_57 : f32 to vector<16xf32>
          %ge3A_137 = arith.cmpf oge, %get3A_135, %ge3A_136 : vector<16xf32>
          %jit3A_138 = arith.constant 1 : i32
          %jit3A_139 = arith.constant 0 : i32
          %broadcast_in_dim3A_140 = vector.broadcast %jit3A_138 : i32 to vector<16xi32>
          %broadcast_in_dim3A_141 = vector.broadcast %jit3A_139 : i32 to vector<16xi32>
          %select_n3A_142 = arith.select %ge3A_137, %broadcast_in_dim3A_140, %broadcast_in_dim3A_141 : vector<16xi1>, vector<16xi32>
          %add3A_143 = arith.addi %add3A_129, %select_n3A_142 : vector<16xi32>
          %mul3A_144 = arith.constant 256 : i32
          %mul3A_145 = arith.muli %scan3A_72, %mul3A_144 : i32
          %add3A_146 = arith.constant 80 : i32
          %add3A_147 = arith.addi %mul3A_145, %add3A_146 : i32
          %get3A_148 = arith.index_cast %add3A_147 : i32 to index
          %get3A_149 = tpu.vector_load %arg5[%get3A_148] {strides = array<i32>} : memref<4096xf32, #tpu.memory_space<vmem>>, vector<16xf32>,
          %ge3A_150 = vector.broadcast %bitcast_convert_type3A_57 : f32 to vector<16xf32>
          %ge3A_151 = arith.cmpf oge, %get3A_149, %ge3A_150 : vector<16xf32>
          %jit3A_152 = arith.constant 1 : i32
          %jit3A_153 = arith.constant 0 : i32
          %broadcast_in_dim3A_154 = vector.broadcast %jit3A_152 : i32 to vector<16xi32>
          %broadcast_in_dim3A_155 = vector.broadcast %jit3A_153 : i32 to vector<16xi32>
          %select_n3A_156 = arith.select %ge3A_151, %broadcast_in_dim3A_154, %broadcast_in_dim3A_155 : vector<16xi1>, vector<16xi32>
          %add3A_157 = arith.addi %add3A_143, %select_n3A_156 : vector<16xi32>
          %mul3A_158 = arith.constant 256 : i32
          %mul3A_159 = arith.muli %scan3A_72, %mul3A_158 : i32
          %add3A_160 = arith.constant 96 : i32
          %add3A_161 = arith.addi %mul3A_159, %add3A_160 : i32
          %get3A_162 = arith.index_cast %add3A_161 : i32 to index
          %get3A_163 = tpu.vector_load %arg5[%get3A_162] {strides = array<i32>} : memref<4096xf32, #tpu.memory_space<vmem>>, vector<16xf32>,
          %ge3A_164 = vector.broadcast %bitcast_convert_type3A_57 : f32 to vector<16xf32>
          %ge3A_165 = arith.cmpf oge, %get3A_163, %ge3A_164 : vector<16xf32>
          %jit3A_166 = arith.constant 1 : i32
          %jit3A_167 = arith.constant 0 : i32
          %broadcast_in_dim3A_168 = vector.broadcast %jit3A_166 : i32 to vector<16xi32>
          %broadcast_in_dim3A_169 = vector.broadcast %jit3A_167 : i32 to vector<16xi32>
          %select_n3A_170 = arith.select %ge3A_165, %broadcast_in_dim3A_168, %broadcast_in_dim3A_169 : vector<16xi1>, vector<16xi32>
          %add3A_171 = arith.addi %add3A_157, %select_n3A_170 : vector<16xi32>
          %mul3A_172 = arith.constant 256 : i32
          %mul3A_173 = arith.muli %scan3A_72, %mul3A_172 : i32
          %add3A_174 = arith.constant 112 : i32
          %add3A_175 = arith.addi %mul3A_173, %add3A_174 : i32
          %get3A_176 = arith.index_cast %add3A_175 : i32 to index
          %get3A_177 = tpu.vector_load %arg5[%get3A_176] {strides = array<i32>} : memref<4096xf32, #tpu.memory_space<vmem>>, vector<16xf32>,
          %ge3A_178 = vector.broadcast %bitcast_convert_type3A_57 : f32 to vector<16xf32>
          %ge3A_179 = arith.cmpf oge, %get3A_177, %ge3A_178 : vector<16xf32>
          %jit3A_180 = arith.constant 1 : i32
          %jit3A_181 = arith.constant 0 : i32
          %broadcast_in_dim3A_182 = vector.broadcast %jit3A_180 : i32 to vector<16xi32>
          %broadcast_in_dim3A_183 = vector.broadcast %jit3A_181 : i32 to vector<16xi32>
          %select_n3A_184 = arith.select %ge3A_179, %broadcast_in_dim3A_182, %broadcast_in_dim3A_183 : vector<16xi1>, vector<16xi32>
          %add3A_185 = arith.addi %add3A_171, %select_n3A_184 : vector<16xi32>
          %mul3A_186 = arith.constant 256 : i32
          %mul3A_187 = arith.muli %scan3A_72, %mul3A_186 : i32
          %add3A_188 = arith.constant 128 : i32
          %add3A_189 = arith.addi %mul3A_187, %add3A_188 : i32
          %get3A_190 = arith.index_cast %add3A_189 : i32 to index
          %get3A_191 = tpu.vector_load %arg5[%get3A_190] {strides = array<i32>} : memref<4096xf32, #tpu.memory_space<vmem>>, vector<16xf32>,
          %ge3A_192 = vector.broadcast %bitcast_convert_type3A_57 : f32 to vector<16xf32>
          %ge3A_193 = arith.cmpf oge, %get3A_191, %ge3A_192 : vector<16xf32>
          %jit3A_194 = arith.constant 1 : i32
          %jit3A_195 = arith.constant 0 : i32
          %broadcast_in_dim3A_196 = vector.broadcast %jit3A_194 : i32 to vector<16xi32>
          %broadcast_in_dim3A_197 = vector.broadcast %jit3A_195 : i32 to vector<16xi32>
          %select_n3A_198 = arith.select %ge3A_193, %broadcast_in_dim3A_196, %broadcast_in_dim3A_197 : vector<16xi1>, vector<16xi32>
          %add3A_199 = arith.addi %add3A_185, %select_n3A_198 : vector<16xi32>
          %mul3A_200 = arith.constant 256 : i32
          %mul3A_201 = arith.muli %scan3A_72, %mul3A_200 : i32
          %add3A_202 = arith.constant 144 : i32
          %add3A_203 = arith.addi %mul3A_201, %add3A_202 : i32
          %get3A_204 = arith.index_cast %add3A_203 : i32 to index
          %get3A_205 = tpu.vector_load %arg5[%get3A_204] {strides = array<i32>} : memref<4096xf32, #tpu.memory_space<vmem>>, vector<16xf32>,
          %ge3A_206 = vector.broadcast %bitcast_convert_type3A_57 : f32 to vector<16xf32>
          %ge3A_207 = arith.cmpf oge, %get3A_205, %ge3A_206 : vector<16xf32>
          %jit3A_208 = arith.constant 1 : i32
          %jit3A_209 = arith.constant 0 : i32
          %broadcast_in_dim3A_210 = vector.broadcast %jit3A_208 : i32 to vector<16xi32>
          %broadcast_in_dim3A_211 = vector.broadcast %jit3A_209 : i32 to vector<16xi32>
          %select_n3A_212 = arith.select %ge3A_207, %broadcast_in_dim3A_210, %broadcast_in_dim3A_211 : vector<16xi1>, vector<16xi32>
          %add3A_213 = arith.addi %add3A_199, %select_n3A_212 : vector<16xi32>
          %mul3A_214 = arith.constant 256 : i32
          %mul3A_215 = arith.muli %scan3A_72, %mul3A_214 : i32
          %add3A_216 = arith.constant 160 : i32
          %add3A_217 = arith.addi %mul3A_215, %add3A_216 : i32
          %get3A_218 = arith.index_cast %add3A_217 : i32 to index
          %get3A_219 = tpu.vector_load %arg5[%get3A_218] {strides = array<i32>} : memref<4096xf32, #tpu.memory_space<vmem>>, vector<16xf32>,
          %ge3A_220 = vector.broadcast %bitcast_convert_type3A_57 : f32 to vector<16xf32>
          %ge3A_221 = arith.cmpf oge, %get3A_219, %ge3A_220 : vector<16xf32>
          %jit3A_222 = arith.constant 1 : i32
          %jit3A_223 = arith.constant 0 : i32
          %broadcast_in_dim3A_224 = vector.broadcast %jit3A_222 : i32 to vector<16xi32>
          %broadcast_in_dim3A_225 = vector.broadcast %jit3A_223 : i32 to vector<16xi32>
          %select_n3A_226 = arith.select %ge3A_221, %broadcast_in_dim3A_224, %broadcast_in_dim3A_225 : vector<16xi1>, vector<16xi32>
          %add3A_227 = arith.addi %add3A_213, %select_n3A_226 : vector<16xi32>
          %mul3A_228 = arith.constant 256 : i32
          %mul3A_229 = arith.muli %scan3A_72, %mul3A_228 : i32
          %add3A_230 = arith.constant 176 : i32
          %add3A_231 = arith.addi %mul3A_229, %add3A_230 : i32
          %get3A_232 = arith.index_cast %add3A_231 : i32 to index
          %get3A_233 = tpu.vector_load %arg5[%get3A_232] {strides = array<i32>} : memref<4096xf32, #tpu.memory_space<vmem>>, vector<16xf32>,
          %ge3A_234 = vector.broadcast %bitcast_convert_type3A_57 : f32 to vector<16xf32>
          %ge3A_235 = arith.cmpf oge, %get3A_233, %ge3A_234 : vector<16xf32>
          %jit3A_236 = arith.constant 1 : i32
          %jit3A_237 = arith.constant 0 : i32
          %broadcast_in_dim3A_238 = vector.broadcast %jit3A_236 : i32 to vector<16xi32>
          %broadcast_in_dim3A_239 = vector.broadcast %jit3A_237 : i32 to vector<16xi32>
          %select_n3A_240 = arith.select %ge3A_235, %broadcast_in_dim3A_238, %broadcast_in_dim3A_239 : vector<16xi1>, vector<16xi32>
          %add3A_241 = arith.addi %add3A_227, %select_n3A_240 : vector<16xi32>
          %mul3A_242 = arith.constant 256 : i32
          %mul3A_243 = arith.muli %scan3A_72, %mul3A_242 : i32
          %add3A_244 = arith.constant 192 : i32
          %add3A_245 = arith.addi %mul3A_243, %add3A_244 : i32
          %get3A_246 = arith.index_cast %add3A_245 : i32 to index
          %get3A_247 = tpu.vector_load %arg5[%get3A_246] {strides = array<i32>} : memref<4096xf32, #tpu.memory_space<vmem>>, vector<16xf32>,
          %ge3A_248 = vector.broadcast %bitcast_convert_type3A_57 : f32 to vector<16xf32>
          %ge3A_249 = arith.cmpf oge, %get3A_247, %ge3A_248 : vector<16xf32>
          %jit3A_250 = arith.constant 1 : i32
          %jit3A_251 = arith.constant 0 : i32
          %broadcast_in_dim3A_252 = vector.broadcast %jit3A_250 : i32 to vector<16xi32>
          %broadcast_in_dim3A_253 = vector.broadcast %jit3A_251 : i32 to vector<16xi32>
          %select_n3A_254 = arith.select %ge3A_249, %broadcast_in_dim3A_252, %broadcast_in_dim3A_253 : vector<16xi1>, vector<16xi32>
          %add3A_255 = arith.addi %add3A_241, %select_n3A_254 : vector<16xi32>
          %mul3A_256 = arith.constant 256 : i32
          %mul3A_257 = arith.muli %scan3A_72, %mul3A_256 : i32
          %add3A_258 = arith.constant 208 : i32
          %add3A_259 = arith.addi %mul3A_257, %add3A_258 : i32
          %get3A_260 = arith.index_cast %add3A_259 : i32 to index
          %get3A_261 = tpu.vector_load %arg5[%get3A_260] {strides = array<i32>} : memref<4096xf32, #tpu.memory_space<vmem>>, vector<16xf32>,
          %ge3A_262 = vector.broadcast %bitcast_convert_type3A_57 : f32 to vector<16xf32>
          %ge3A_263 = arith.cmpf oge, %get3A_261, %ge3A_262 : vector<16xf32>
          %jit3A_264 = arith.constant 1 : i32
          %jit3A_265 = arith.constant 0 : i32
          %broadcast_in_dim3A_266 = vector.broadcast %jit3A_264 : i32 to vector<16xi32>
          %broadcast_in_dim3A_267 = vector.broadcast %jit3A_265 : i32 to vector<16xi32>
          %select_n3A_268 = arith.select %ge3A_263, %broadcast_in_dim3A_266, %broadcast_in_dim3A_267 : vector<16xi1>, vector<16xi32>
          %add3A_269 = arith.addi %add3A_255, %select_n3A_268 : vector<16xi32>
          %mul3A_270 = arith.constant 256 : i32
          %mul3A_271 = arith.muli %scan3A_72, %mul3A_270 : i32
          %add3A_272 = arith.constant 224 : i32
          %add3A_273 = arith.addi %mul3A_271, %add3A_272 : i32
          %get3A_274 = arith.index_cast %add3A_273 : i32 to index
          %get3A_275 = tpu.vector_load %arg5[%get3A_274] {strides = array<i32>} : memref<4096xf32, #tpu.memory_space<vmem>>, vector<16xf32>,
          %ge3A_276 = vector.broadcast %bitcast_convert_type3A_57 : f32 to vector<16xf32>
          %ge3A_277 = arith.cmpf oge, %get3A_275, %ge3A_276 : vector<16xf32>
          %jit3A_278 = arith.constant 1 : i32
          %jit3A_279 = arith.constant 0 : i32
          %broadcast_in_dim3A_280 = vector.broadcast %jit3A_278 : i32 to vector<16xi32>
          %broadcast_in_dim3A_281 = vector.broadcast %jit3A_279 : i32 to vector<16xi32>
          %select_n3A_282 = arith.select %ge3A_277, %broadcast_in_dim3A_280, %broadcast_in_dim3A_281 : vector<16xi1>, vector<16xi32>
          %add3A_283 = arith.addi %add3A_269, %select_n3A_282 : vector<16xi32>
          %mul3A_284 = arith.constant 256 : i32
          %mul3A_285 = arith.muli %scan3A_72, %mul3A_284 : i32
          %add3A_286 = arith.constant 240 : i32
          %add3A_287 = arith.addi %mul3A_285, %add3A_286 : i32
          %get3A_288 = arith.index_cast %add3A_287 : i32 to index
          %get3A_289 = tpu.vector_load %arg5[%get3A_288] {strides = array<i32>} : memref<4096xf32, #tpu.memory_space<vmem>>, vector<16xf32>,
          %ge3A_290 = vector.broadcast %bitcast_convert_type3A_57 : f32 to vector<16xf32>
          %ge3A_291 = arith.cmpf oge, %get3A_289, %ge3A_290 : vector<16xf32>
          %jit3A_292 = arith.constant 1 : i32
          %jit3A_293 = arith.constant 0 : i32
          %broadcast_in_dim3A_294 = vector.broadcast %jit3A_292 : i32 to vector<16xi32>
          %broadcast_in_dim3A_295 = vector.broadcast %jit3A_293 : i32 to vector<16xi32>
          %select_n3A_296 = arith.select %ge3A_291, %broadcast_in_dim3A_294, %broadcast_in_dim3A_295 : vector<16xi1>, vector<16xi32>
          %add3A_297 = arith.addi %add3A_283, %select_n3A_296 : vector<16xi32>
          scf.yield %add3A_297 : vector<16xi32>
        }
        %scan3A_65 = arith.constant 16 : i32
        %reduce_sum3A_66 = arith.constant true
        %reduce_sum3A_67 = vector.broadcast %reduce_sum3A_66 : i1 to vector<16xi1>
        %reduce_sum3A_68 = tpu.scan <sum>, %scan3A_64 masked %reduce_sum3A_67 : vector<16xi32>, vector<16xi1> -> vector<16xi32>
        %reduce_sum3A_69 = vector.extract %reduce_sum3A_68[15] : i32 from vector<16xi32>
        %ge3A = arith.cmpi sge, %reduce_sum3A_69, %min3A : i32
        %select_n3A_70 = arith.select %ge3A, %add3A_56, %while3A_52 : i32
        %select_n3A_71 = arith.select %ge3A, %while3A_53, %add3A_56 : i32
        scf.yield %select_n3A_70, %select_n3A_71 : i32, i32
      }
      %bitcast_convert_type3A_22 = arith.bitcast %while3A_21#0 : i32 to f32
      %broadcast_in_dim3A_23 = arith.constant 0.000000e+00 : f32
      %broadcast_in_dim3A_24 = vector.broadcast %broadcast_in_dim3A_23 : f32 to vector<16xf32>
      %broadcast_in_dim3A_25 = arith.constant 0 : i32
      %broadcast_in_dim3A_26 = vector.broadcast %broadcast_in_dim3A_25 : i32 to vector<16xi32>
      %scan3A_27 = arith.constant 0 : i32
      %scan3A_28 = arith.constant 16 : i32
      %scan3A_29 = arith.addi %scan3A_27, %scan3A_28 : i32
      %scan3A_30 = arith.constant 1 : i32
      %scan3A_31:2 = scf.for %scan3A_52 = %scan3A_27 to %scan3A_29 step %scan3A_30 iter_args(%scan3A_53 = %broadcast_in_dim3A_24, %scan3A_54 = %broadcast_in_dim3A_26) -> (vector<16xf32>, vector<16xi32>)  : i32 {
        %mul3A_55 = arith.constant 256 : i32
        %mul3A_56 = arith.muli %scan3A_52, %mul3A_55 : i32
        %add3A_57 = arith.constant 0 : i32
        %add3A_58 = arith.addi %mul3A_56, %add3A_57 : i32
        %get3A_59 = arith.index_cast %add3A_58 : i32 to index
        %get3A_60 = tpu.vector_load %arg5[%get3A_59] {strides = array<i32>} : memref<4096xf32, #tpu.memory_space<vmem>>, vector<16xf32>,
        %gt3A_61 = vector.broadcast %bitcast_convert_type3A_22 : f32 to vector<16xf32>
        %gt3A_62 = arith.cmpf ogt, %get3A_60, %gt3A_61 : vector<16xf32>
        %jit3A_63 = arith.constant 0.000000e+00 : f32
        %broadcast_in_dim3A_64 = vector.broadcast %jit3A_63 : f32 to vector<16xf32>
        %select_n3A_65 = arith.select %gt3A_62, %get3A_60, %broadcast_in_dim3A_64 : vector<16xi1>, vector<16xf32>
        %add3A_66 = arith.addf %scan3A_53, %select_n3A_65 : vector<16xf32>
        %jit3A_67 = arith.constant 1 : i32
        %jit3A_68 = arith.constant 0 : i32
        %broadcast_in_dim3A_69 = vector.broadcast %jit3A_67 : i32 to vector<16xi32>
        %broadcast_in_dim3A_70 = vector.broadcast %jit3A_68 : i32 to vector<16xi32>
        %select_n3A_71 = arith.select %gt3A_62, %broadcast_in_dim3A_69, %broadcast_in_dim3A_70 : vector<16xi1>, vector<16xi32>
        %add3A_72 = arith.addi %scan3A_54, %select_n3A_71 : vector<16xi32>
        %mul3A_73 = arith.constant 256 : i32
        %mul3A_74 = arith.muli %scan3A_52, %mul3A_73 : i32
        %add3A_75 = arith.constant 16 : i32
        %add3A_76 = arith.addi %mul3A_74, %add3A_75 : i32
        %get3A_77 = arith.index_cast %add3A_76 : i32 to index
        %get3A_78 = tpu.vector_load %arg5[%get3A_77] {strides = array<i32>} : memref<4096xf32, #tpu.memory_space<vmem>>, vector<16xf32>,
        %gt3A_79 = vector.broadcast %bitcast_convert_type3A_22 : f32 to vector<16xf32>
        %gt3A_80 = arith.cmpf ogt, %get3A_78, %gt3A_79 : vector<16xf32>
        %jit3A_81 = arith.constant 0.000000e+00 : f32
        %broadcast_in_dim3A_82 = vector.broadcast %jit3A_81 : f32 to vector<16xf32>
        %select_n3A_83 = arith.select %gt3A_80, %get3A_78, %broadcast_in_dim3A_82 : vector<16xi1>, vector<16xf32>
        %add3A_84 = arith.addf %add3A_66, %select_n3A_83 : vector<16xf32>
        %jit3A_85 = arith.constant 1 : i32
        %jit3A_86 = arith.constant 0 : i32
        %broadcast_in_dim3A_87 = vector.broadcast %jit3A_85 : i32 to vector<16xi32>
        %broadcast_in_dim3A_88 = vector.broadcast %jit3A_86 : i32 to vector<16xi32>
        %select_n3A_89 = arith.select %gt3A_80, %broadcast_in_dim3A_87, %broadcast_in_dim3A_88 : vector<16xi1>, vector<16xi32>
        %add3A_90 = arith.addi %add3A_72, %select_n3A_89 : vector<16xi32>
        %mul3A_91 = arith.constant 256 : i32
        %mul3A_92 = arith.muli %scan3A_52, %mul3A_91 : i32
        %add3A_93 = arith.constant 32 : i32
        %add3A_94 = arith.addi %mul3A_92, %add3A_93 : i32
        %get3A_95 = arith.index_cast %add3A_94 : i32 to index
        %get3A_96 = tpu.vector_load %arg5[%get3A_95] {strides = array<i32>} : memref<4096xf32, #tpu.memory_space<vmem>>, vector<16xf32>,
        %gt3A_97 = vector.broadcast %bitcast_convert_type3A_22 : f32 to vector<16xf32>
        %gt3A_98 = arith.cmpf ogt, %get3A_96, %gt3A_97 : vector<16xf32>
        %jit3A_99 = arith.constant 0.000000e+00 : f32
        %broadcast_in_dim3A_100 = vector.broadcast %jit3A_99 : f32 to vector<16xf32>
        %select_n3A_101 = arith.select %gt3A_98, %get3A_96, %broadcast_in_dim3A_100 : vector<16xi1>, vector<16xf32>
        %add3A_102 = arith.addf %add3A_84, %select_n3A_101 : vector<16xf32>
        %jit3A_103 = arith.constant 1 : i32
        %jit3A_104 = arith.constant 0 : i32
        %broadcast_in_dim3A_105 = vector.broadcast %jit3A_103 : i32 to vector<16xi32>
        %broadcast_in_dim3A_106 = vector.broadcast %jit3A_104 : i32 to vector<16xi32>
        %select_n3A_107 = arith.select %gt3A_98, %broadcast_in_dim3A_105, %broadcast_in_dim3A_106 : vector<16xi1>, vector<16xi32>
        %add3A_108 = arith.addi %add3A_90, %select_n3A_107 : vector<16xi32>
        %mul3A_109 = arith.constant 256 : i32
        %mul3A_110 = arith.muli %scan3A_52, %mul3A_109 : i32
        %add3A_111 = arith.constant 48 : i32
        %add3A_112 = arith.addi %mul3A_110, %add3A_111 : i32
        %get3A_113 = arith.index_cast %add3A_112 : i32 to index
        %get3A_114 = tpu.vector_load %arg5[%get3A_113] {strides = array<i32>} : memref<4096xf32, #tpu.memory_space<vmem>>, vector<16xf32>,
        %gt3A_115 = vector.broadcast %bitcast_convert_type3A_22 : f32 to vector<16xf32>
        %gt3A_116 = arith.cmpf ogt, %get3A_114, %gt3A_115 : vector<16xf32>
        %jit3A_117 = arith.constant 0.000000e+00 : f32
        %broadcast_in_dim3A_118 = vector.broadcast %jit3A_117 : f32 to vector<16xf32>
        %select_n3A_119 = arith.select %gt3A_116, %get3A_114, %broadcast_in_dim3A_118 : vector<16xi1>, vector<16xf32>
        %add3A_120 = arith.addf %add3A_102, %select_n3A_119 : vector<16xf32>
        %jit3A_121 = arith.constant 1 : i32
        %jit3A_122 = arith.constant 0 : i32
        %broadcast_in_dim3A_123 = vector.broadcast %jit3A_121 : i32 to vector<16xi32>
        %broadcast_in_dim3A_124 = vector.broadcast %jit3A_122 : i32 to vector<16xi32>
        %select_n3A_125 = arith.select %gt3A_116, %broadcast_in_dim3A_123, %broadcast_in_dim3A_124 : vector<16xi1>, vector<16xi32>
        %add3A_126 = arith.addi %add3A_108, %select_n3A_125 : vector<16xi32>
        %mul3A_127 = arith.constant 256 : i32
        %mul3A_128 = arith.muli %scan3A_52, %mul3A_127 : i32
        %add3A_129 = arith.constant 64 : i32
        %add3A_130 = arith.addi %mul3A_128, %add3A_129 : i32
        %get3A_131 = arith.index_cast %add3A_130 : i32 to index
        %get3A_132 = tpu.vector_load %arg5[%get3A_131] {strides = array<i32>} : memref<4096xf32, #tpu.memory_space<vmem>>, vector<16xf32>,
        %gt3A_133 = vector.broadcast %bitcast_convert_type3A_22 : f32 to vector<16xf32>
        %gt3A_134 = arith.cmpf ogt, %get3A_132, %gt3A_133 : vector<16xf32>
        %jit3A_135 = arith.constant 0.000000e+00 : f32
        %broadcast_in_dim3A_136 = vector.broadcast %jit3A_135 : f32 to vector<16xf32>
        %select_n3A_137 = arith.select %gt3A_134, %get3A_132, %broadcast_in_dim3A_136 : vector<16xi1>, vector<16xf32>
        %add3A_138 = arith.addf %add3A_120, %select_n3A_137 : vector<16xf32>
        %jit3A_139 = arith.constant 1 : i32
        %jit3A_140 = arith.constant 0 : i32
        %broadcast_in_dim3A_141 = vector.broadcast %jit3A_139 : i32 to vector<16xi32>
        %broadcast_in_dim3A_142 = vector.broadcast %jit3A_140 : i32 to vector<16xi32>
        %select_n3A_143 = arith.select %gt3A_134, %broadcast_in_dim3A_141, %broadcast_in_dim3A_142 : vector<16xi1>, vector<16xi32>
        %add3A_144 = arith.addi %add3A_126, %select_n3A_143 : vector<16xi32>
        %mul3A_145 = arith.constant 256 : i32
        %mul3A_146 = arith.muli %scan3A_52, %mul3A_145 : i32
        %add3A_147 = arith.constant 80 : i32
        %add3A_148 = arith.addi %mul3A_146, %add3A_147 : i32
        %get3A_149 = arith.index_cast %add3A_148 : i32 to index
        %get3A_150 = tpu.vector_load %arg5[%get3A_149] {strides = array<i32>} : memref<4096xf32, #tpu.memory_space<vmem>>, vector<16xf32>,
        %gt3A_151 = vector.broadcast %bitcast_convert_type3A_22 : f32 to vector<16xf32>
        %gt3A_152 = arith.cmpf ogt, %get3A_150, %gt3A_151 : vector<16xf32>
        %jit3A_153 = arith.constant 0.000000e+00 : f32
        %broadcast_in_dim3A_154 = vector.broadcast %jit3A_153 : f32 to vector<16xf32>
        %select_n3A_155 = arith.select %gt3A_152, %get3A_150, %broadcast_in_dim3A_154 : vector<16xi1>, vector<16xf32>
        %add3A_156 = arith.addf %add3A_138, %select_n3A_155 : vector<16xf32>
        %jit3A_157 = arith.constant 1 : i32
        %jit3A_158 = arith.constant 0 : i32
        %broadcast_in_dim3A_159 = vector.broadcast %jit3A_157 : i32 to vector<16xi32>
        %broadcast_in_dim3A_160 = vector.broadcast %jit3A_158 : i32 to vector<16xi32>
        %select_n3A_161 = arith.select %gt3A_152, %broadcast_in_dim3A_159, %broadcast_in_dim3A_160 : vector<16xi1>, vector<16xi32>
        %add3A_162 = arith.addi %add3A_144, %select_n3A_161 : vector<16xi32>
        %mul3A_163 = arith.constant 256 : i32
        %mul3A_164 = arith.muli %scan3A_52, %mul3A_163 : i32
        %add3A_165 = arith.constant 96 : i32
        %add3A_166 = arith.addi %mul3A_164, %add3A_165 : i32
        %get3A_167 = arith.index_cast %add3A_166 : i32 to index
        %get3A_168 = tpu.vector_load %arg5[%get3A_167] {strides = array<i32>} : memref<4096xf32, #tpu.memory_space<vmem>>, vector<16xf32>,
        %gt3A_169 = vector.broadcast %bitcast_convert_type3A_22 : f32 to vector<16xf32>
        %gt3A_170 = arith.cmpf ogt, %get3A_168, %gt3A_169 : vector<16xf32>
        %jit3A_171 = arith.constant 0.000000e+00 : f32
        %broadcast_in_dim3A_172 = vector.broadcast %jit3A_171 : f32 to vector<16xf32>
        %select_n3A_173 = arith.select %gt3A_170, %get3A_168, %broadcast_in_dim3A_172 : vector<16xi1>, vector<16xf32>
        %add3A_174 = arith.addf %add3A_156, %select_n3A_173 : vector<16xf32>
        %jit3A_175 = arith.constant 1 : i32
        %jit3A_176 = arith.constant 0 : i32
        %broadcast_in_dim3A_177 = vector.broadcast %jit3A_175 : i32 to vector<16xi32>
        %broadcast_in_dim3A_178 = vector.broadcast %jit3A_176 : i32 to vector<16xi32>
        %select_n3A_179 = arith.select %gt3A_170, %broadcast_in_dim3A_177, %broadcast_in_dim3A_178 : vector<16xi1>, vector<16xi32>
        %add3A_180 = arith.addi %add3A_162, %select_n3A_179 : vector<16xi32>
        %mul3A_181 = arith.constant 256 : i32
        %mul3A_182 = arith.muli %scan3A_52, %mul3A_181 : i32
        %add3A_183 = arith.constant 112 : i32
        %add3A_184 = arith.addi %mul3A_182, %add3A_183 : i32
        %get3A_185 = arith.index_cast %add3A_184 : i32 to index
        %get3A_186 = tpu.vector_load %arg5[%get3A_185] {strides = array<i32>} : memref<4096xf32, #tpu.memory_space<vmem>>, vector<16xf32>,
        %gt3A_187 = vector.broadcast %bitcast_convert_type3A_22 : f32 to vector<16xf32>
        %gt3A_188 = arith.cmpf ogt, %get3A_186, %gt3A_187 : vector<16xf32>
        %jit3A_189 = arith.constant 0.000000e+00 : f32
        %broadcast_in_dim3A_190 = vector.broadcast %jit3A_189 : f32 to vector<16xf32>
        %select_n3A_191 = arith.select %gt3A_188, %get3A_186, %broadcast_in_dim3A_190 : vector<16xi1>, vector<16xf32>
        %add3A_192 = arith.addf %add3A_174, %select_n3A_191 : vector<16xf32>
        %jit3A_193 = arith.constant 1 : i32
        %jit3A_194 = arith.constant 0 : i32
        %broadcast_in_dim3A_195 = vector.broadcast %jit3A_193 : i32 to vector<16xi32>
        %broadcast_in_dim3A_196 = vector.broadcast %jit3A_194 : i32 to vector<16xi32>
        %select_n3A_197 = arith.select %gt3A_188, %broadcast_in_dim3A_195, %broadcast_in_dim3A_196 : vector<16xi1>, vector<16xi32>
        %add3A_198 = arith.addi %add3A_180, %select_n3A_197 : vector<16xi32>
        %mul3A_199 = arith.constant 256 : i32
        %mul3A_200 = arith.muli %scan3A_52, %mul3A_199 : i32
        %add3A_201 = arith.constant 128 : i32
        %add3A_202 = arith.addi %mul3A_200, %add3A_201 : i32
        %get3A_203 = arith.index_cast %add3A_202 : i32 to index
        %get3A_204 = tpu.vector_load %arg5[%get3A_203] {strides = array<i32>} : memref<4096xf32, #tpu.memory_space<vmem>>, vector<16xf32>,
        %gt3A_205 = vector.broadcast %bitcast_convert_type3A_22 : f32 to vector<16xf32>
        %gt3A_206 = arith.cmpf ogt, %get3A_204, %gt3A_205 : vector<16xf32>
        %jit3A_207 = arith.constant 0.000000e+00 : f32
        %broadcast_in_dim3A_208 = vector.broadcast %jit3A_207 : f32 to vector<16xf32>
        %select_n3A_209 = arith.select %gt3A_206, %get3A_204, %broadcast_in_dim3A_208 : vector<16xi1>, vector<16xf32>
        %add3A_210 = arith.addf %add3A_192, %select_n3A_209 : vector<16xf32>
        %jit3A_211 = arith.constant 1 : i32
        %jit3A_212 = arith.constant 0 : i32
        %broadcast_in_dim3A_213 = vector.broadcast %jit3A_211 : i32 to vector<16xi32>
        %broadcast_in_dim3A_214 = vector.broadcast %jit3A_212 : i32 to vector<16xi32>
        %select_n3A_215 = arith.select %gt3A_206, %broadcast_in_dim3A_213, %broadcast_in_dim3A_214 : vector<16xi1>, vector<16xi32>
        %add3A_216 = arith.addi %add3A_198, %select_n3A_215 : vector<16xi32>
        %mul3A_217 = arith.constant 256 : i32
        %mul3A_218 = arith.muli %scan3A_52, %mul3A_217 : i32
        %add3A_219 = arith.constant 144 : i32
        %add3A_220 = arith.addi %mul3A_218, %add3A_219 : i32
        %get3A_221 = arith.index_cast %add3A_220 : i32 to index
        %get3A_222 = tpu.vector_load %arg5[%get3A_221] {strides = array<i32>} : memref<4096xf32, #tpu.memory_space<vmem>>, vector<16xf32>,
        %gt3A_223 = vector.broadcast %bitcast_convert_type3A_22 : f32 to vector<16xf32>
        %gt3A_224 = arith.cmpf ogt, %get3A_222, %gt3A_223 : vector<16xf32>
        %jit3A_225 = arith.constant 0.000000e+00 : f32
        %broadcast_in_dim3A_226 = vector.broadcast %jit3A_225 : f32 to vector<16xf32>
        %select_n3A_227 = arith.select %gt3A_224, %get3A_222, %broadcast_in_dim3A_226 : vector<16xi1>, vector<16xf32>
        %add3A_228 = arith.addf %add3A_210, %select_n3A_227 : vector<16xf32>
        %jit3A_229 = arith.constant 1 : i32
        %jit3A_230 = arith.constant 0 : i32
        %broadcast_in_dim3A_231 = vector.broadcast %jit3A_229 : i32 to vector<16xi32>
        %broadcast_in_dim3A_232 = vector.broadcast %jit3A_230 : i32 to vector<16xi32>
        %select_n3A_233 = arith.select %gt3A_224, %broadcast_in_dim3A_231, %broadcast_in_dim3A_232 : vector<16xi1>, vector<16xi32>
        %add3A_234 = arith.addi %add3A_216, %select_n3A_233 : vector<16xi32>
        %mul3A_235 = arith.constant 256 : i32
        %mul3A_236 = arith.muli %scan3A_52, %mul3A_235 : i32
        %add3A_237 = arith.constant 160 : i32
        %add3A_238 = arith.addi %mul3A_236, %add3A_237 : i32
        %get3A_239 = arith.index_cast %add3A_238 : i32 to index
        %get3A_240 = tpu.vector_load %arg5[%get3A_239] {strides = array<i32>} : memref<4096xf32, #tpu.memory_space<vmem>>, vector<16xf32>,
        %gt3A_241 = vector.broadcast %bitcast_convert_type3A_22 : f32 to vector<16xf32>
        %gt3A_242 = arith.cmpf ogt, %get3A_240, %gt3A_241 : vector<16xf32>
        %jit3A_243 = arith.constant 0.000000e+00 : f32
        %broadcast_in_dim3A_244 = vector.broadcast %jit3A_243 : f32 to vector<16xf32>
        %select_n3A_245 = arith.select %gt3A_242, %get3A_240, %broadcast_in_dim3A_244 : vector<16xi1>, vector<16xf32>
        %add3A_246 = arith.addf %add3A_228, %select_n3A_245 : vector<16xf32>
        %jit3A_247 = arith.constant 1 : i32
        %jit3A_248 = arith.constant 0 : i32
        %broadcast_in_dim3A_249 = vector.broadcast %jit3A_247 : i32 to vector<16xi32>
        %broadcast_in_dim3A_250 = vector.broadcast %jit3A_248 : i32 to vector<16xi32>
        %select_n3A_251 = arith.select %gt3A_242, %broadcast_in_dim3A_249, %broadcast_in_dim3A_250 : vector<16xi1>, vector<16xi32>
        %add3A_252 = arith.addi %add3A_234, %select_n3A_251 : vector<16xi32>
        %mul3A_253 = arith.constant 256 : i32
        %mul3A_254 = arith.muli %scan3A_52, %mul3A_253 : i32
        %add3A_255 = arith.constant 176 : i32
        %add3A_256 = arith.addi %mul3A_254, %add3A_255 : i32
        %get3A_257 = arith.index_cast %add3A_256 : i32 to index
        %get3A_258 = tpu.vector_load %arg5[%get3A_257] {strides = array<i32>} : memref<4096xf32, #tpu.memory_space<vmem>>, vector<16xf32>,
        %gt3A_259 = vector.broadcast %bitcast_convert_type3A_22 : f32 to vector<16xf32>
        %gt3A_260 = arith.cmpf ogt, %get3A_258, %gt3A_259 : vector<16xf32>
        %jit3A_261 = arith.constant 0.000000e+00 : f32
        %broadcast_in_dim3A_262 = vector.broadcast %jit3A_261 : f32 to vector<16xf32>
        %select_n3A_263 = arith.select %gt3A_260, %get3A_258, %broadcast_in_dim3A_262 : vector<16xi1>, vector<16xf32>
        %add3A_264 = arith.addf %add3A_246, %select_n3A_263 : vector<16xf32>
        %jit3A_265 = arith.constant 1 : i32
        %jit3A_266 = arith.constant 0 : i32
        %broadcast_in_dim3A_267 = vector.broadcast %jit3A_265 : i32 to vector<16xi32>
        %broadcast_in_dim3A_268 = vector.broadcast %jit3A_266 : i32 to vector<16xi32>
        %select_n3A_269 = arith.select %gt3A_260, %broadcast_in_dim3A_267, %broadcast_in_dim3A_268 : vector<16xi1>, vector<16xi32>
        %add3A_270 = arith.addi %add3A_252, %select_n3A_269 : vector<16xi32>
        %mul3A_271 = arith.constant 256 : i32
        %mul3A_272 = arith.muli %scan3A_52, %mul3A_271 : i32
        %add3A_273 = arith.constant 192 : i32
        %add3A_274 = arith.addi %mul3A_272, %add3A_273 : i32
        %get3A_275 = arith.index_cast %add3A_274 : i32 to index
        %get3A_276 = tpu.vector_load %arg5[%get3A_275] {strides = array<i32>} : memref<4096xf32, #tpu.memory_space<vmem>>, vector<16xf32>,
        %gt3A_277 = vector.broadcast %bitcast_convert_type3A_22 : f32 to vector<16xf32>
        %gt3A_278 = arith.cmpf ogt, %get3A_276, %gt3A_277 : vector<16xf32>
        %jit3A_279 = arith.constant 0.000000e+00 : f32
        %broadcast_in_dim3A_280 = vector.broadcast %jit3A_279 : f32 to vector<16xf32>
        %select_n3A_281 = arith.select %gt3A_278, %get3A_276, %broadcast_in_dim3A_280 : vector<16xi1>, vector<16xf32>
        %add3A_282 = arith.addf %add3A_264, %select_n3A_281 : vector<16xf32>
        %jit3A_283 = arith.constant 1 : i32
        %jit3A_284 = arith.constant 0 : i32
        %broadcast_in_dim3A_285 = vector.broadcast %jit3A_283 : i32 to vector<16xi32>
        %broadcast_in_dim3A_286 = vector.broadcast %jit3A_284 : i32 to vector<16xi32>
        %select_n3A_287 = arith.select %gt3A_278, %broadcast_in_dim3A_285, %broadcast_in_dim3A_286 : vector<16xi1>, vector<16xi32>
        %add3A_288 = arith.addi %add3A_270, %select_n3A_287 : vector<16xi32>
        %mul3A_289 = arith.constant 256 : i32
        %mul3A_290 = arith.muli %scan3A_52, %mul3A_289 : i32
        %add3A_291 = arith.constant 208 : i32
        %add3A_292 = arith.addi %mul3A_290, %add3A_291 : i32
        %get3A_293 = arith.index_cast %add3A_292 : i32 to index
        %get3A_294 = tpu.vector_load %arg5[%get3A_293] {strides = array<i32>} : memref<4096xf32, #tpu.memory_space<vmem>>, vector<16xf32>,
        %gt3A_295 = vector.broadcast %bitcast_convert_type3A_22 : f32 to vector<16xf32>
        %gt3A_296 = arith.cmpf ogt, %get3A_294, %gt3A_295 : vector<16xf32>
        %jit3A_297 = arith.constant 0.000000e+00 : f32
        %broadcast_in_dim3A_298 = vector.broadcast %jit3A_297 : f32 to vector<16xf32>
        %select_n3A_299 = arith.select %gt3A_296, %get3A_294, %broadcast_in_dim3A_298 : vector<16xi1>, vector<16xf32>
        %add3A_300 = arith.addf %add3A_282, %select_n3A_299 : vector<16xf32>
        %jit3A_301 = arith.constant 1 : i32
        %jit3A_302 = arith.constant 0 : i32
        %broadcast_in_dim3A_303 = vector.broadcast %jit3A_301 : i32 to vector<16xi32>
        %broadcast_in_dim3A_304 = vector.broadcast %jit3A_302 : i32 to vector<16xi32>
        %select_n3A_305 = arith.select %gt3A_296, %broadcast_in_dim3A_303, %broadcast_in_dim3A_304 : vector<16xi1>, vector<16xi32>
        %add3A_306 = arith.addi %add3A_288, %select_n3A_305 : vector<16xi32>
        %mul3A_307 = arith.constant 256 : i32
        %mul3A_308 = arith.muli %scan3A_52, %mul3A_307 : i32
        %add3A_309 = arith.constant 224 : i32
        %add3A_310 = arith.addi %mul3A_308, %add3A_309 : i32
        %get3A_311 = arith.index_cast %add3A_310 : i32 to index
        %get3A_312 = tpu.vector_load %arg5[%get3A_311] {strides = array<i32>} : memref<4096xf32, #tpu.memory_space<vmem>>, vector<16xf32>,
        %gt3A_313 = vector.broadcast %bitcast_convert_type3A_22 : f32 to vector<16xf32>
        %gt3A_314 = arith.cmpf ogt, %get3A_312, %gt3A_313 : vector<16xf32>
        %jit3A_315 = arith.constant 0.000000e+00 : f32
        %broadcast_in_dim3A_316 = vector.broadcast %jit3A_315 : f32 to vector<16xf32>
        %select_n3A_317 = arith.select %gt3A_314, %get3A_312, %broadcast_in_dim3A_316 : vector<16xi1>, vector<16xf32>
        %add3A_318 = arith.addf %add3A_300, %select_n3A_317 : vector<16xf32>
        %jit3A_319 = arith.constant 1 : i32
        %jit3A_320 = arith.constant 0 : i32
        %broadcast_in_dim3A_321 = vector.broadcast %jit3A_319 : i32 to vector<16xi32>
        %broadcast_in_dim3A_322 = vector.broadcast %jit3A_320 : i32 to vector<16xi32>
        %select_n3A_323 = arith.select %gt3A_314, %broadcast_in_dim3A_321, %broadcast_in_dim3A_322 : vector<16xi1>, vector<16xi32>
        %add3A_324 = arith.addi %add3A_306, %select_n3A_323 : vector<16xi32>
        %mul3A_325 = arith.constant 256 : i32
        %mul3A_326 = arith.muli %scan3A_52, %mul3A_325 : i32
        %add3A_327 = arith.constant 240 : i32
        %add3A_328 = arith.addi %mul3A_326, %add3A_327 : i32
        %get3A_329 = arith.index_cast %add3A_328 : i32 to index
        %get3A_330 = tpu.vector_load %arg5[%get3A_329] {strides = array<i32>} : memref<4096xf32, #tpu.memory_space<vmem>>, vector<16xf32>,
        %gt3A_331 = vector.broadcast %bitcast_convert_type3A_22 : f32 to vector<16xf32>
        %gt3A_332 = arith.cmpf ogt, %get3A_330, %gt3A_331 : vector<16xf32>
        %jit3A_333 = arith.constant 0.000000e+00 : f32
        %broadcast_in_dim3A_334 = vector.broadcast %jit3A_333 : f32 to vector<16xf32>
        %select_n3A_335 = arith.select %gt3A_332, %get3A_330, %broadcast_in_dim3A_334 : vector<16xi1>, vector<16xf32>
        %add3A_336 = arith.addf %add3A_318, %select_n3A_335 : vector<16xf32>
        %jit3A_337 = arith.constant 1 : i32
        %jit3A_338 = arith.constant 0 : i32
        %broadcast_in_dim3A_339 = vector.broadcast %jit3A_337 : i32 to vector<16xi32>
        %broadcast_in_dim3A_340 = vector.broadcast %jit3A_338 : i32 to vector<16xi32>
        %select_n3A_341 = arith.select %gt3A_332, %broadcast_in_dim3A_339, %broadcast_in_dim3A_340 : vector<16xi1>, vector<16xi32>
        %add3A_342 = arith.addi %add3A_324, %select_n3A_341 : vector<16xi32>
        scf.yield %add3A_336, %add3A_342 : vector<16xf32>, vector<16xi32>
      }
      %scan3A_32 = arith.constant 16 : i32
      %reduce_sum3A_33 = arith.constant true
      %reduce_sum3A_34 = vector.broadcast %reduce_sum3A_33 : i1 to vector<16xi1>
      %reduce_sum3A_35 = tpu.scan <sum>, %scan3A_31#0 masked %reduce_sum3A_34 : vector<16xf32>, vector<16xi1> -> vector<16xf32>
      %reduce_sum3A_36 = vector.extract %reduce_sum3A_35[15] : f32 from vector<16xf32>
      %reduce_sum3A_37 = arith.constant true
      %reduce_sum3A_38 = vector.broadcast %reduce_sum3A_37 : i1 to vector<16xi1>
      %reduce_sum3A_39 = tpu.scan <sum>, %scan3A_31#1 masked %reduce_sum3A_38 : vector<16xi32>, vector<16xi1> -> vector<16xi32>
      %reduce_sum3A_40 = vector.extract %reduce_sum3A_39[15] : i32 from vector<16xi32>
      %sub3A_41 = arith.subi %min3A, %reduce_sum3A_40 : i32
      %convert_element_type3A_42 = arith.sitofp %sub3A_41 : i32 to f32
      %mul3A = arith.mulf %bitcast_convert_type3A_22, %convert_element_type3A_42 : f32
      %add3A_43 = arith.addf %reduce_sum3A_36, %mul3A : f32
      %gt3A = arith.constant 0 : i32
      %gt3A_44 = arith.cmpi sgt, %reduce_sum3A_17, %gt3A : i32
      %jit3A = arith.constant 0.000000e+00 : f32
      %select_n3A = arith.select %gt3A_44, %add3A_43, %jit3A : f32
      %get3A = arith.constant 0 : index
      %get3A_45 = tpu.vector_load %arg6[%get3A] {strides = array<i32>} : memref<128xf32, #tpu.memory_space<vmem>>, vector<16xf32>,
      %slice3A = vector.extract_strided_slice %get3A_45 {offsets = [0], sizes = [1], strides = [1]} : vector<16xf32> to vector<1xf32>
      %squeeze3A = vector.extract %slice3A[0] : f32 from vector<1xf32>
      %add3A_46 = arith.addf %squeeze3A, %select_n3A : f32
      %broadcast_in_dim3A_47 = vector.broadcast %add3A_46 : f32 to vector<16xf32>
      %add3A_48 = arith.addi %sub3A_18, %min3A : i32
      %convert_element_type3A_49 = arith.sitofp %add3A_48 : i32 to f32
      %broadcast_in_dim3A_50 = vector.broadcast %convert_element_type3A_49 : f32 to vector<16xf32>
      %div3A = arith.divf %broadcast_in_dim3A_47, %broadcast_in_dim3A_50 : vector<16xf32>
      %swap3A = arith.constant 0 : index
      %swap3A_51 = tpu.vector_load %arg7[%swap3A] {strides = array<i32>} : memref<16xf32, #tpu.memory_space<vmem>>, vector<16xf32>,
      tpu.vector_store %arg7[%swap3A], %div3A {strides = array<i32>} : memref<16xf32, #tpu.memory_space<vmem>>, vector<16xf32>,
      "tpu.region"() ({
        %run_scoped3A = tpu.sem_alloc : memref<!tpu.dma_semaphore, #tpu.memory_space<semaphore_mem>>
        tpu.enqueue_dma source(%arg7 : memref<16xf32, #tpu.memory_space<vmem>>) target(%arg4 : memref<16xf32, #tpu.memory_space<hbm>>) target_semaphore(%run_scoped3A : memref<!tpu.dma_semaphore, #tpu.memory_space<semaphore_mem>>)
        tpu.wait_dma2 semaphore(%run_scoped3A : memref<!tpu.dma_semaphore, #tpu.memory_space<semaphore_mem>>) src(%arg7 : memref<16xf32, #tpu.memory_space<vmem>>) dst(%arg4 : memref<16xf32, #tpu.memory_space<hbm>>)
        tpu.yield
      }) : () -> ()
    } else {
    }
    return
  }
}

module attributes {stable_mosaic.version = 14 : i64} {
  func.func @_tc_body(%arg0: i32, %arg1: memref<128x128xf32, #tpu.memory_space<vmem>>, %arg2: memref<128x128xf32, #tpu.memory_space<vmem>>, %arg3: memref<128x1xi32, #tpu.memory_space<vmem>>, %arg4: memref<128x1xf32, #tpu.memory_space<vmem>>, %arg5: memref<1x128xf32, #tpu.memory_space<vmem>>) attributes {dimension_semantics = [#tpu.dimension_semantics<arbitrary>], iteration_bounds = array<i64: 32>, scalar_prefetch = 0 : i64, scratch_operands = 0 : i64, tpu.core_type = #tpu.core_type<tc>, window_params = [{transform_indices = @transform_0, window_bounds = array<i64: 128, 128>}, {transform_indices = @transform_1, window_bounds = array<i64: 128, 128>}, {transform_indices = @transform_2, window_bounds = array<i64: 128, 1>}, {transform_indices = @transform_3, window_bounds = array<i64: 128, 1>}, {pipeline_mode = #tpu.pipeline_mode<synchronous>, transform_indices = @transform_4, window_bounds = array<i64: 1, 128>}]} {
    %eq3A = arith.constant 0 : i32
    %eq3A_0 = arith.cmpi eq, %arg0, %eq3A : i32
    %convert_element_type3A = arith.extui %eq3A_0 : i1 to i32
    %cond3A = arith.constant 0 : i32
    %cond3A_1 = arith.cmpi ne, %convert_element_type3A, %cond3A : i32
    scf.if %cond3A_1 {
      %broadcast_in_dim3A_52 = arith.constant 0.000000e+00 : f32
      %broadcast_in_dim3A_53 = vector.broadcast %broadcast_in_dim3A_52 : f32 to vector<1x128xf32>
      %swap3A_54 = arith.constant 0 : index
      %swap3A_55 = arith.constant 0 : index
      %swap3A_56 = vector.load %arg5[%swap3A_54, %swap3A_55] : memref<1x128xf32, #tpu.memory_space<vmem>>, vector<1x128xf32>
      tpu.vector_store %arg5[%swap3A_54, %swap3A_55], %broadcast_in_dim3A_53 {strides = array<i32>} : memref<1x128xf32, #tpu.memory_space<vmem>>, vector<1x128xf32>,
    } else {
    }
    %get3A = arith.constant 0 : index
    %get3A_2 = arith.constant 0 : index
    %get3A_3 = vector.load %arg2[%get3A, %get3A_2] : memref<128x128xf32, #tpu.memory_space<vmem>>, vector<128x128xf32>
    %get3A_4 = arith.constant 0 : index
    %get3A_5 = arith.constant 0 : index
    %get3A_6 = vector.load %arg1[%get3A_4, %get3A_5] : memref<128x128xf32, #tpu.memory_space<vmem>>, vector<128x128xf32>
    %sub3A = arith.subf %get3A_3, %get3A_6 : vector<128x128xf32>
    %mul3A = arith.mulf %sub3A, %sub3A : vector<128x128xf32>
    %reduce_sum3A = arith.constant dense<0.000000e+00> : vector<128xf32>
    %reduce_sum3A_7 = vector.multi_reduction <add>, %mul3A, %reduce_sum3A [1] : vector<128x128xf32> to vector<128xf32>
    %broadcast_in_dim3A = vector.shape_cast %reduce_sum3A_7 : vector<128xf32> to vector<128x1xf32>
    %add3A = arith.constant 9.99999971E-10 : f32
    %add3A_8 = vector.broadcast %add3A : f32 to vector<128x1xf32>
    %add3A_9 = arith.addf %broadcast_in_dim3A, %add3A_8 : vector<128x1xf32>
    %sqrt3A = math.sqrt %add3A_9 : vector<128x1xf32>
    %sub3A_10 = arith.constant 5.000000e-01 : f32
    %sub3A_11 = vector.broadcast %sub3A_10 : f32 to vector<128x1xf32>
    %sub3A_12 = arith.subf %sqrt3A, %sub3A_11 : vector<128x1xf32>
    %max3A = arith.constant 0.000000e+00 : f32
    %max3A_13 = vector.broadcast %max3A : f32 to vector<128x1xf32>
    %max3A_14 = arith.maximumf %sub3A_12, %max3A_13 : vector<128x1xf32>
    %integer_pow3A = arith.mulf %max3A_14, %max3A_14 : vector<128x1xf32>
    %mul3A_15 = arith.constant 5.000000e-01 : f32
    %mul3A_16 = vector.broadcast %mul3A_15 : f32 to vector<128x1xf32>
    %mul3A_17 = arith.mulf %mul3A_16, %integer_pow3A : vector<128x1xf32>
    %sub3A_18 = arith.constant 1.500000e+00 : f32
    %sub3A_19 = vector.broadcast %sub3A_18 : f32 to vector<128x1xf32>
    %sub3A_20 = arith.subf %sub3A_19, %sqrt3A : vector<128x1xf32>
    %max3A_21 = arith.constant 0.000000e+00 : f32
    %max3A_22 = vector.broadcast %max3A_21 : f32 to vector<128x1xf32>
    %max3A_23 = arith.maximumf %sub3A_20, %max3A_22 : vector<128x1xf32>
    %integer_pow3A_24 = arith.mulf %max3A_23, %max3A_23 : vector<128x1xf32>
    %mul3A_25 = arith.constant 5.000000e-01 : f32
    %mul3A_26 = vector.broadcast %mul3A_25 : f32 to vector<128x1xf32>
    %mul3A_27 = arith.mulf %mul3A_26, %integer_pow3A_24 : vector<128x1xf32>
    %get3A_28 = arith.constant 0 : index
    %get3A_29 = arith.constant 0 : index
    %get3A_30 = vector.load %arg3[%get3A_28, %get3A_29] : memref<128x1xi32, #tpu.memory_space<vmem>>, vector<128x1xi32>
    %ne3A = arith.constant 0 : i32
    %ne3A_31 = vector.broadcast %ne3A : i32 to vector<128x1xi32>
    %ne3A_32 = arith.cmpi ne, %get3A_30, %ne3A_31 : vector<128x1xi32>
    %jit3A = arith.constant -1.000000e+00 : f32
    %broadcast_in_dim3A_33 = vector.broadcast %jit3A : f32 to vector<128x1xf32>
    %select_n3A = arith.select %ne3A_32, %broadcast_in_dim3A_33, %mul3A_27 : vector<128x1xi1>, vector<128x1xf32>
    %swap3A = arith.constant 0 : index
    %swap3A_34 = arith.constant 0 : index
    %swap3A_35 = vector.load %arg4[%swap3A, %swap3A_34] : memref<128x1xf32, #tpu.memory_space<vmem>>, vector<128x1xf32>
    tpu.vector_store %arg4[%swap3A, %swap3A_34], %select_n3A {strides = array<i32>} : memref<128x1xf32, #tpu.memory_space<vmem>>, vector<128x1xf32>,
    %jit3A_36 = arith.constant 0.000000e+00 : f32
    %broadcast_in_dim3A_37 = vector.broadcast %jit3A_36 : f32 to vector<128x1xf32>
    %select_n3A_38 = arith.select %ne3A_32, %mul3A_17, %broadcast_in_dim3A_37 : vector<128x1xi1>, vector<128x1xf32>
    %reduce_sum3A_39 = vector.shape_cast %select_n3A_38 : vector<128x1xf32> to vector<1x128x1xf32>
    %reduce_sum3A_40 = arith.constant dense<0.000000e+00> : vector<1xf32>
    %reduce_sum3A_41 = vector.multi_reduction <add>, %reduce_sum3A_39, %reduce_sum3A_40 [1, 2] : vector<1x128x1xf32> to vector<1xf32>
    %reduce_sum3A_42 = vector.shape_cast %reduce_sum3A_41 : vector<1xf32> to vector<1x1x1xf32>
    %reduce_sum3A_43 = vector.extract %reduce_sum3A_42[0, 0, 0] : f32 from vector<1x1x1xf32>
    %get3A_44 = arith.constant 0 : index
    %get3A_45 = arith.constant 0 : index
    %get3A_46 = vector.load %arg5[%get3A_44, %get3A_45] : memref<1x128xf32, #tpu.memory_space<vmem>>, vector<1x128xf32>
    %add3A_47 = vector.broadcast %reduce_sum3A_43 : f32 to vector<1x128xf32>
    %add3A_48 = arith.addf %get3A_46, %add3A_47 : vector<1x128xf32>
    %swap3A_49 = arith.constant 0 : index
    %swap3A_50 = arith.constant 0 : index
    %swap3A_51 = vector.load %arg5[%swap3A_49, %swap3A_50] : memref<1x128xf32, #tpu.memory_space<vmem>>, vector<1x128xf32>
    tpu.vector_store %arg5[%swap3A_49, %swap3A_50], %add3A_48 {strides = array<i32>} : memref<1x128xf32, #tpu.memory_space<vmem>>, vector<1x128xf32>,
    return
  }
  func.func @transform_0(%arg0: i32) -> (i32, i32) {
    %c0_i32 = arith.constant 0 : i32
    %c0_i32_0 = arith.constant 0 : i32
    return %arg0, %c0_i32 : i32, i32
  }
  func.func @transform_1(%arg0: i32) -> (i32, i32) {
    %c0_i32 = arith.constant 0 : i32
    %c0_i32_0 = arith.constant 0 : i32
    return %arg0, %c0_i32 : i32, i32
  }
  func.func @transform_2(%arg0: i32) -> (i32, i32) {
    %c0_i32 = arith.constant 0 : i32
    %c0_i32_0 = arith.constant 0 : i32
    return %arg0, %c0_i32 : i32, i32
  }
  func.func @transform_3(%arg0: i32) -> (i32, i32) {
    %c0_i32 = arith.constant 0 : i32
    %c0_i32_0 = arith.constant 0 : i32
    return %arg0, %c0_i32 : i32, i32
  }
  func.func @transform_4(%arg0: i32) -> (i32, i32) {
    %c0_i32 = arith.constant 0 : i32
    %c0_i32_0 = arith.constant 0 : i32
    %c0_i32_1 = arith.constant 0 : i32
    return %c0_i32, %c0_i32_0 : i32, i32
  }
}

</mosaic_0001>

<sc_bundles>
// kernel: _run.4.cloned.1.call-start
scs
__scs_entry_jumppad:
0x0: {  	(pc) =	sbr.rel $0x88, $3  }
0x1: {  	(tag) =	ssettag $0x0;
	lr =	simm.s32 $0x1  }
0x2: {  	[smem:$0x3F9E] =	sst lr;
	_ =	strace $0xD0000000  }
0x3: {  	_ = 	snop  }
0x4: {  	_ = 	snop  }
0x5: {  	_ = 	snop  }
0x6: {  	_ = 	snop  }
0x7: {  	_ = 	snop  }
__scs_overlays_trampoline_lowered:
0x8: {  	[smem:$0x3FAD] =	sst s0  }
0x9: {  	[smem:$0x3FAE] =	sst s1  }
0xa: {  	[smem:$0x3FAF] =	sst s2  }
0xb: {  	[smem:$0x3FB0] =	sst s3  }
0xc: {  	[smem:$0x3FB1] =	sst s4  }
0xd: {  	[smem:$0x3FB2] =	sst s5  }
0xe: {  	[smem:$0x3FB3] =	sst s6  }
0xf: {  	[smem:$0x3FB4] =	sst s7  }
0x10: {  	[smem:$0x3FB5] =	sst s8  }
0x11: {  	[smem:$0x3FB6] =	sst s9;
	s0 =	simm.s32 @!p0 $0x0  }
0x12: {  	s1 =	sld [smem:$0x3F9C];
	s0 =	simm.s32 @p0 $0x1  }
0x13: {  	[smem:$0x3FB7] =	sst s0;
	s0 =	simm.s32 @!p1 $0x0  }
0x14: {  	s2 =	sld [smem:$0x3F9B];
	s0 =	simm.s32 @p1 $0x1  }
0x15: {  	[smem:$0x3FB8] =	sst s0;
	s0 =	simm.s32 @!p2 $0x0  }
0x16: {  	s3 =	sld [smem:$0x3FDB];
	s0 =	simm.s32 @p2 $0x1  }
0x17: {  	s4 =	simm.s32 $0x1BF5;
	[smem:$0x3FBA] =	sst s0  }
0x18: {  	s0 =	sld [smem:$0x3F9D];
	_ =	swait.ge [sflag:s4], $0x0  }
0x19: {  	s7 =	sld [smem:$0x3F9E]  }
0x1a: {  	s8 =	sadd.s32 $0xFFFFE003, lr  }
0x1b: {  	s9 =	sadd.s32 $0xFFFFFEF7, lr;
	s5 =	simm.s32 $0xFFFFFFFF;
	p2 =	slt.u32 s8, $0xFFFFF086  }
0x1c: {  	p1 =	slt.u32 s9, $0xF7A;
	s5 =	simm.s32 @!p2 $0x0  }
0x1d: {  	s5 =	simm.s32 @p1 $0x1;
	p0 =	seq.s32 s7, s2  }
0x1e: {  	s7 =	smul.u32 @!p0 $0xF7A, s2;
	p2 =	seq.s32 @!p0 s5, $0x0  }
0x1f: {  	s9 =	smul.u32 $0xF7A, s1;
	s8 =	simm.s32 @!p0 $0x1BF5;
	p2 =	por !p2, p0  }
0x20: {  	[sflag:s8] =	ssyncset.s32 @!p0 $0xFFFFF086;
	s6 =	sadd.s32 @!p0 s3, s7;
	s7 =	simm.s32 @!p0 $0x108  }
0x21: {  	s3 =	sadd.s32 s3, s9;
	s6 =	sadd.s32 @!p0 $0x88, s6;
	s7 =	simm.s32 @p2 $0x1082  }
0x22: {  	[simem:s7], [sflag:s8] =	dma.local @!p0 [hbm:s6], $0xF7A  }
0x23: {  	s9 =	sor.u32 $0xD0000000, s2;
	s6 =	simm.s32 $0x108;
	_ =	swait.ge @!p0 [sflag:s8], $0x0  }
0x24: {  	s3 =	sadd.s32 $0x88, s3;
	s6 =	simm.s32 @!p1 $0x1082;
	[sflag:s4] =	ssyncset.s32 $0xFFFFF086  }
0x25: {  	[simem:s6], [sflag:s4] =	dma.local [hbm:s3], $0xF7A  }
0x26: {  	[smem:$0x3F9E] =	sst s1;
	(tag) =	ssettag s2;
	_ =	strace s9  }
0x27: {  	s1 =	sld [smem:$0x3FAE]  }
0x28: {  	s2 =	sld [smem:$0x3FAF]  }
0x29: {  	s4 =	sld [smem:$0x3FB1]  }
0x2a: {  	p0 =	seq.s32 s5, $0x0;
	s5 =	sld [smem:$0x3FB2]  }
0x2b: {  	s6 =	sld [smem:$0x3FB3]  }
0x2c: {  	s7 =	sld [smem:$0x3FB4]  }
0x2d: {  	s3 =	simm.s32 $0x108;
	s8 =	sld [smem:$0x3FB5]  }
0x2e: {  	s3 =	simm.s32 @!p0 $0x1082;
	s9 =	sld [smem:$0x3FB6]  }
0x2f: {  	lr =	sadd.s32 s0, s3;
	s0 =	sld [smem:$0x3FAD]  }
0x30: {  	s3 =	sld [smem:$0x3FB0]  }
0x31: {  	[smem:$0x3FB9] =	sst s10  }
0x32: {  	s10 =	sld [smem:$0x3FB7];
	_ =	sdelay $0x3  }
0x33: {  	p0 =	seq.s32 s10, $0x1;
	s10 =	sld [smem:$0x3FB9];
	_ =	sdelay $0x3  }
0x34: {  	[smem:$0x3FB9] =	sst s10  }
0x35: {  	s10 =	sld [smem:$0x3FB8];
	_ =	sdelay $0x3  }
0x36: {  	p1 =	seq.s32 s10, $0x1;
	s10 =	sld [smem:$0x3FB9];
	_ =	sdelay $0x3  }
0x37: {  	[smem:$0x3FB9] =	sst s10  }
0x38: {  	s10 =	sld [smem:$0x3FBA]  }
0x39: {  	_ = 	snop;
	(pc) =	sbr.ind lr, $3  }
0x3a: {  	_ = 	snop  }
0x3b: {  	_ = 	snop  }
0x3c: {  	p2 =	seq.s32 s10, $0x1;
	s10 =	sld [smem:$0x3FB9]  }
0x3d: {  	_ =	shalt  }
0x3e: {  	_ =	shalt  }
0x3f: {  	_ =	shalt  }
0x40: {  	_ =	shalt  }
0x41: {  	_ =	shalt  }
0x42: {  	_ =	shalt  }
0x43: {  	_ =	shalt  }
0x44: {  	_ =	shalt  }
0x45: {  	_ =	shalt  }
0x46: {  	_ =	shalt  }
0x47: {  	_ =	shalt  }
0x48: {  	_ =	shalt  }
0x49: {  	_ =	shalt  }
0x4a: {  	_ =	shalt  }
0x4b: {  	_ =	shalt  }
0x4c: {  	_ =	shalt  }
0x4d: {  	_ =	shalt  }
0x4e: {  	_ =	shalt  }
0x4f: {  	_ =	shalt  }
0x50: {  	_ =	shalt  }
0x51: {  	_ =	shalt  }
0x52: {  	_ =	shalt  }
0x53: {  	_ =	shalt  }
0x54: {  	_ =	shalt  }
0x55: {  	_ =	shalt  }
0x56: {  	_ =	shalt  }
0x57: {  	_ =	shalt  }
0x58: {  	_ =	shalt  }
0x59: {  	_ =	shalt  }
0x5a: {  	_ =	shalt  }
0x5b: {  	_ =	shalt  }
0x5c: {  	_ =	shalt  }
0x5d: {  	_ =	shalt  }
0x5e: {  	_ =	shalt  }
0x5f: {  	_ =	shalt  }
0x60: {  	_ =	shalt  }
0x61: {  	_ =	shalt  }
0x62: {  	_ =	shalt  }
0x63: {  	_ =	shalt  }
0x64: {  	_ =	shalt  }
0x65: {  	_ =	shalt  }
0x66: {  	_ =	shalt  }
0x67: {  	_ =	shalt  }
0x68: {  	_ =	shalt  }
0x69: {  	_ =	shalt  }
0x6a: {  	_ =	shalt  }
0x6b: {  	_ =	shalt  }
0x6c: {  	_ =	shalt  }
0x6d: {  	_ =	shalt  }
0x6e: {  	_ =	shalt  }
0x6f: {  	_ =	shalt  }
0x70: {  	_ =	shalt  }
0x71: {  	_ =	shalt  }
0x72: {  	_ =	shalt  }
0x73: {  	_ =	shalt  }
0x74: {  	_ =	shalt  }
0x75: {  	_ =	shalt  }
0x76: {  	_ =	shalt  }
0x77: {  	_ =	shalt  }
0x78: {  	_ =	shalt  }
0x79: {  	_ =	shalt  }
0x7a: {  	_ =	shalt  }
0x7b: {  	_ =	shalt  }
0x7c: {  	_ =	shalt  }
0x7d: {  	_ =	shalt  }
0x7e: {  	_ =	shalt  }
0x7f: {  	_ =	shalt  }
0x80: {  	_ =	shalt  }
0x81: {  	_ =	shalt  }
0x82: {  	_ =	shalt  }
0x83: {  	_ =	shalt  }
0x84: {  	_ =	shalt  }
0x85: {  	_ =	shalt  }
0x86: {  	_ =	shalt  }
0x87: {  	_ =	shalt  }
.Lfunc_end0:
.L_simem_size_0:
called_computation_lowered:
.L_overlay_start_0:
0x88: {  	s2 =	sld [smem:$0x3FD9]  }
0x89: {  	s3 =	sld [smem:$0x3FFE];
	_ =	sdelay $0x1  }
0x8a: {  	s1 =	srdreg.scid  }
0x8b: {  	s0 =	sand.u32 $0x1, s1  }
0x8c: {  	s17 =	sshll.u32 s0, $0xA;
	s2 =	sadd.s32 s3, s2  }
0x8d: {  	s2 =	sadd.s32 s2, s17  }
0x8e: {  	[smem:$0x3FC5] =	sst s2  }
0x8f: {  	_ = 	snop  }
0x90: {  	s2 =	sld [smem:$0x3FD0];
	(tm) =	ssettm $0x1  }
0x91: {  	s18 =	sld [smem:$0x3FFB];
	_ =	sdelay $0x3  }
0x92: {  	_ =	strace s18  }
0x93: {  	s3 =	sld [smem:$0x3FFC];
	_ =	sdelay $0x3  }
0x94: {  	_ =	strace s3  }
0x95: {  	s3 =	sld [smem:$0x3FFD];
	_ =	sdelay $0x3  }
0x96: {  	_ =	strace s3  }
0x97: {  	_ =	strace $0x8FFFFFFF  }
0x98: {  	s19 =	sld [smem:$0x3FDB];
	_ =	sdelay $0x1  }
0x99: {  	s4 =	simm.s32 $_scs_section_size  }
0x9a: {  	s5 =	simm.s32 $_size__tile_overlayer_lowered;
	s6 =	simm.s32 $_tile_overlayer_lowered  }
0x9b: {  	s22 =	simm.s32 $0x1BFF;
	s21 =	sshll.u32 s6, $0x1;
	s3 =	sadd.s32 s4, s19  }
0x9c: {  	s7 =	simm.s32 $0x0;
	s20 =	sshll.u32 s5, $0x1;
	s5 =	sadd.s32 s21, s3  }
0x9d: {  	[timem:s7], [sflag:s22] =	dma.local [hbm:s5], s20  }
0x9e: {  	_ =	swait.ge [sflag:s22], s20  }
0x9f: {  	s4 =	ssub.s32 $0x0, s20;
	[sflag:s22] =	ssyncset.done $0x0  }
0xa0: {  	[sflag:s22] =	ssyncadd.s32 s4;
	_ =	sdelay $0x1  }
0xa1: {  	s23 =	simm.s32 $0x1B8B  }
0xa2: {  	_ =	swait.ge [sflag:s23], $0x1  }
0xa3: {  	[sflag:s23] =	ssyncset.done $0x0  }
0xa4: {  	s25 =	simm.s32 $0x1B8E;
	s24 =	sld [smem:$0x3FFE];
	[sflag:s23] =	ssyncadd.s32 $0xFFFFFFFF  }
0xa5: {  	s26 =	simm.s32 $execute0_lowered;
	[smem:$0x3FD2] =	sst s25  }
0xa6: {  	s5 =	sshll.u32 s26, $0x1;
	_ =	strace $0x80000046;
	[dreg:$0x1] =	wrdreg $0xFFFFFFFF  }
0xa7: {  	s28 =	simm.s32 $_size_execute0_lowered;
	s3 =	sadd.s32 s3, s5;
	[dreg:$0x0] =	wrdreg $0x0  }
0xa8: {  	s5 =	sshll.u32 s28, $0x1;
	[dreg:$0x2] =	wrdreg s3  }
0xa9: {  	[dreg:$0x3] =	wrdreg s5  }
0xaa: {  	[dreg:$0x4] =	wrdreg $0xC0  }
0xab: {  	_ =	task [dreg:s7], $0x5FFFF  }
0xac: {  	[dreg:$0x1] =	wrdreg $0xFFFFFFFF  }
0xad: {  	[dreg:$0x0] =	wrdreg $0x60  }
0xae: {  	[dreg:$0x2] =	wrdreg s24  }
0xaf: {  	[dreg:$0x3] =	wrdreg s2  }
0xb0: {  	[dreg:$0x4] =	wrdreg $0x9  }
0xb1: {  	_ =	task.clear_ibuf [dreg:s7], $0x5FFFF;
	_ =	strace $0x90000046  }
0xb2: {  	s29 =	simm.s32 $0x9;
	_ =	strace $0x80000048  }
0xb3: {  	_ =	swait.ge [sflag:s29], $0x1  }
0xb4: {  	[sflag:s29] =	ssyncadd.s32 $0xFFFFFFFF  }
0xb5: {  	_ =	strace $0x90000048  }
0xb6: {  	_ =	sfence  }
0xb7: {  	s30 =	sld [smem:$0x0];
	_ =	sdelay $0x2  }
0xb8: {  	s31 =	sshll.u32 s1, $0xD;
	s1 =	sshrl.u32 s1, $0x2  }
0xb9: {  	s3 =	sand.u32 $0x4000, s31;
	s1 =	sadd.s32 s1, s30  }
0xba: {  	s0 =	sor.u32 s3, s0;
	s1 =	sshll.u32 s1, $0x11  }
0xbb: {  	s0 =	sor.u32 s1, s0  }
0xbc: {  	s0 =	sadd.s32 $0x8F2B, s0  }
0xbd: {  	[sflag:s0] =	ssyncadd.remote.s32 $0x1  }
0xbe: {  	_ =	sfence.sel $0xFFFF  }
0xbf: {  	[dreg:$0x0] =	wrdreg $0xFFFFFFFF;
	(pc) =	sbr.abs _section_cstart, $3  }
0xc0: {  	[dreg:$0x1] =	wrdreg $0xFFFFFFFF  }
0xc1: {  	_ =	task.clear_ibuf [dreg:s7], $0x2FFFF;
	_ =	strace $0x9FFFFFFF  }
0xc2: {  	(tm) =	ssettm $0x7FFFFFFF  }
0xc3: {  	_ =	shalt  }
tec
execute0_lowered:
.L_overlay_start_1:
0x0: {  	(tag) =	ssettag $0x1  }
0x1: {  	s0 =	srdreg.scid  }
0x2: {  	s3 =	sand.u32 $0x1, s0;
	s0 =	stileid.u32  }
0x3: {  	s5 =	sor.u32 s0, s3  }
0x4: {  	p0 =	sne.s32 s5, $0x0  }
.Ltmp0:
0x5: {  	_ = 	snop;
	(pc) =	sbr.rel @p0 .LBB2_11-.Ltmp0, $4  }
0x6: {  	_ = 	snop  }
0x7: {  	s4 =	rddreg [dreg:$0x0]  }
0x8: {  	s2 =	rddreg [dreg:$0x1]  }
0x9: {  	s1 =	rddreg [dreg:$0x2];
	_ =	strace $0x80000047  }
0xa: {  	s5 =	ssub.s32 $0x2, s3;
	s3 =	sadd.s32 $0xA00, s4  }
0xb: {  	s4 =	sadd.s32 $0x800, s4;
	s7 =	simm.s32 $0x1;
	s8 =	simm.s32 $0x1000  }
0xc: {  	s9 =	simm.s32 $0x1080;
	s10 =	simm.s32 $0x0;
	s6 =	sshrl.u32 s5, $0x1  }
0xd: {  	v0 =	vimm.s32 $0x0;
	s19 =	simm.s32 $0x0;
	s5 =	ssub.s32 s5, s6;
	s6 =	simm.s32 $0x0  }
.LBB2_2:
0xe: {  	[tilespmem:s6], [sflag:$0x1] =	stream.linear.gather [hbm4b:s3+s6], $0x1000, $0x38;
	[tilespmem:$0x1100] =	vst v63  }
0xf: {  	_ =	swait.ge [sflag:s7], $0x1000  }
0x10: {  	[sflag:s7] =	ssyncset.done $0x0  }
0x11: {  	[sflag:s7] =	ssyncadd.s32 $0xFFFFF000  }
0x12: {  	[tilespmem:s8], [sflag:$0x1] =	stream.linear.gather [hbm4b:s4+s6], $0x80, $0x38;
	[tilespmem:$0x1100] =	vst v63  }
0x13: {  	_ =	swait.ge [sflag:s7], $0x80  }
0x14: {  	[sflag:s7] =	ssyncset.done $0x0  }
0x15: {  	s11 =	simm.s32 $0x0;
	[sflag:s7] =	ssyncadd.s32 $0xFFFFFF80  }
0x16: {  	v4 =	vld [tilespmem:s11+$0xF0]  }
0x17: {  	v16 =	vld [tilespmem:s11+$0xE0]  }
0x18: {  	v15 =	vld [tilespmem:s11+$0xD0]  }
0x19: {  	v14 =	vld [tilespmem:s11+$0xC0]  }
0x1a: {  	v13 =	vld [tilespmem:s11+$0xB0]  }
0x1b: {  	v12 =	vld [tilespmem:s11+$0xA0]  }
0x1c: {  	v11 =	vld [tilespmem:s11+$0x90]  }
0x1d: {  	v10 =	vld [tilespmem:s11+$0x80]  }
0x1e: {  	v8 =	vld [tilespmem:s11+$0x70]  }
0x1f: {  	v9 =	vld [tilespmem:s11+$0x60]  }
0x20: {  	v7 =	vld [tilespmem:s11+$0x50]  }
0x21: {  	v5 =	vld [tilespmem:s11+$0x40]  }
0x22: {  	v3 =	vld [tilespmem:s11+$0x30]  }
0x23: {  	v2 =	vld [tilespmem:s11+$0x20]  }
0x24: {  	v1 =	vld [tilespmem:s11+$0x0]  }
0x25: {  	v6 =	vimm.f32 $-1.000000000e+00;
	v17 =	vld [tilespmem:s11+$0x10];
	vm1 =	vge.f32 v16, $0.0e+00;
	vm0 =	vge.f32 v4, $0.0e+00  }
0x26: {  	vm4 =	vge.f32 v13, $0.0e+00;
	vm3 =	vge.f32 v14, $0.0e+00;
	vm2 =	vge.f32 v15, $0.0e+00  }
0x27: {  	vm7 =	vge.f32 v10, $0.0e+00;
	vm6 =	vge.f32 v11, $0.0e+00;
	vm5 =	vge.f32 v12, $0.0e+00  }
0x28: {  	vm9 =	vge.f32 v7, $0.0e+00;
	vm10 =	vge.f32 v9, $0.0e+00;
	vm8 =	vge.f32 v8, $0.0e+00  }
0x29: {  	vm11 =	vge.f32 v1, $0.0e+00;
	vm12 =	vge.f32 v3, $0.0e+00;
	vm13 =	vge.f32 v5, $0.0e+00  }
0x2a: {  	vm14 =	vge.f32 v2, $0.0e+00;
	v18 =	vsel vm11, $0x1, v0;
	vm11 =	vge.f32 v17, $0.0e+00  }
0x2b: {  	s11 =	simm.s32 $0x100;
	v1 =	vmax.f32 v6, v1;
	v18 =	vadd.s32 v18, v0;
	v19 =	vsel vm11, $0x1, v0  }
0x2c: {  	v6 =	vld [tilespmem:s11+$0xF0];
	v17 =	vmax.f32 v1, v17;
	v18 =	vadd.s32 v19, v18;
	v19 =	vsel vm14, $0x1, v0  }
0x2d: {  	v1 =	vld [tilespmem:s11+$0xE0];
	v17 =	vmax.f32 v17, v2;
	v18 =	vadd.s32 v19, v18;
	v19 =	vsel vm12, $0x1, v0  }
0x2e: {  	v2 =	vld [tilespmem:s11+$0xD0];
	v17 =	vmax.f32 v17, v3;
	v18 =	vadd.s32 v19, v18;
	v19 =	vsel vm13, $0x1, v0  }
0x2f: {  	v3 =	vld [tilespmem:s11+$0xC0];
	v17 =	vmax.f32 v17, v5;
	v18 =	vadd.s32 v19, v18;
	v19 =	vsel vm9, $0x1, v0  }
0x30: {  	v5 =	vld [tilespmem:s11+$0xB0];
	v17 =	vmax.f32 v17, v7;
	v18 =	vadd.s32 v19, v18;
	v19 =	vsel vm10, $0x1, v0  }
0x31: {  	v7 =	vld [tilespmem:s11+$0xA0];
	v17 =	vmax.f32 v17, v9;
	v18 =	vadd.s32 v19, v18;
	v19 =	vsel vm8, $0x1, v0  }
0x32: {  	v9 =	vld [tilespmem:s11+$0x90];
	v17 =	vmax.f32 v17, v8;
	v18 =	vadd.s32 v19, v18;
	v19 =	vsel vm7, $0x1, v0  }
0x33: {  	v8 =	vld [tilespmem:s11+$0x80];
	v17 =	vmax.f32 v17, v10;
	v18 =	vadd.s32 v19, v18;
	v19 =	vsel vm6, $0x1, v0  }
0x34: {  	v10 =	vld [tilespmem:s11+$0x70];
	v17 =	vmax.f32 v17, v11;
	v18 =	vadd.s32 v19, v18;
	v19 =	vsel vm5, $0x1, v0  }
0x35: {  	v11 =	vld [tilespmem:s11+$0x60];
	v17 =	vmax.f32 v17, v12;
	v18 =	vadd.s32 v19, v18;
	v19 =	vsel vm4, $0x1, v0  }
0x36: {  	v12 =	vld [tilespmem:s11+$0x50];
	v17 =	vmax.f32 v17, v13;
	v18 =	vadd.s32 v19, v18;
	v19 =	vsel vm3, $0x1, v0  }
0x37: {  	v13 =	vld [tilespmem:s11+$0x40];
	v17 =	vmax.f32 v17, v14;
	v18 =	vadd.s32 v19, v18;
	v19 =	vsel vm2, $0x1, v0  }
0x38: {  	v14 =	vld [tilespmem:s11+$0x30];
	v17 =	vmax.f32 v17, v15;
	v18 =	vadd.s32 v19, v18;
	v19 =	vsel vm1, $0x1, v0  }
0x39: {  	s12 =	simm.s32 $0x800;
	v15 =	vld [tilespmem:s11+$0x20];
	v16 =	vmax.f32 v17, v16;
	v17 =	vadd.s32 v19, v18;
	v18 =	vsel vm0, $0x1, v0  }
.LBB2_3:
0x3a: {  	p0 =	sne.s32 s12, $0x3C00;
	v19 =	vld [tilespmem:s11+$0x0];
	v16 =	vmax.f32 v16, v4;
	v17 =	vadd.s32 v18, v17;
	v4 =	vmov v6  }
0x3b: {  	vm1 =	vge.f32 v1, $0.0e+00;
	v18 =	vld [tilespmem:s11+$0x10];
	vm0 =	vge.f32 v4, $0.0e+00  }
0x3c: {  	vm4 =	vge.f32 v5, $0.0e+00;
	vm3 =	vge.f32 v3, $0.0e+00;
	vm2 =	vge.f32 v2, $0.0e+00  }
0x3d: {  	vm7 =	vge.f32 v8, $0.0e+00;
	vm6 =	vge.f32 v9, $0.0e+00;
	vm5 =	vge.f32 v7, $0.0e+00  }
0x3e: {  	vm9 =	vge.f32 v11, $0.0e+00;
	vm8 =	vge.f32 v10, $0.0e+00;
	vm10 =	vge.f32 v12, $0.0e+00  }
0x3f: {  	vm13 =	vge.f32 v13, $0.0e+00;
	vm12 =	vge.f32 v14, $0.0e+00;
	vm11 =	vge.f32 v19, $0.0e+00  }
0x40: {  	vm14 =	vge.f32 v15, $0.0e+00;
	v6 =	vsel vm11, $0x1, v0;
	vm11 =	vge.f32 v18, $0.0e+00  }
0x41: {  	s11 =	sshra.s32 s12, $0x2;
	v16 =	vmax.f32 v16, v19;
	v17 =	vadd.s32 v6, v17;
	v19 =	vsel vm11, $0x1, v0  }
0x42: {  	v16 =	vmax.f32 v16, v18;
	v18 =	vsel vm14, $0x1, v0;
	v6 =	vld [tilespmem:s11+$0xF0];
	v17 =	vadd.s32 v19, v17  }
0x43: {  	v15 =	vmax.f32 v16, v15;
	v19 =	vld [tilespmem:s11+$0xE0];
	v16 =	vadd.s32 v18, v17;
	v17 =	vsel vm12, $0x1, v0  }
0x44: {  	v14 =	vmax.f32 v15, v14;
	v18 =	vld [tilespmem:s11+$0xD0];
	v15 =	vadd.s32 v17, v16;
	v16 =	vsel vm13, $0x1, v0  }
0x45: {  	v13 =	vmax.f32 v14, v13;
	v17 =	vld [tilespmem:s11+$0xC0];
	v14 =	vadd.s32 v16, v15;
	v15 =	vsel vm10, $0x1, v0  }
0x46: {  	v12 =	vmax.f32 v13, v12;
	v16 =	vld [tilespmem:s11+$0xB0];
	v13 =	vadd.s32 v15, v14;
	v14 =	vsel vm9, $0x1, v0  }
0x47: {  	v11 =	vmax.f32 v12, v11;
	v15 =	vld [tilespmem:s11+$0xA0];
	v12 =	vadd.s32 v14, v13;
	v13 =	vsel vm8, $0x1, v0  }
0x48: {  	v10 =	vmax.f32 v11, v10;
	v14 =	vld [tilespmem:s11+$0x90];
	v11 =	vadd.s32 v13, v12;
	v12 =	vsel vm7, $0x1, v0  }
0x49: {  	v13 =	vmax.f32 v10, v8;
	v8 =	vld [tilespmem:s11+$0x80];
	v11 =	vadd.s32 v12, v11;
	v12 =	vsel vm6, $0x1, v0  }
0x4a: {  	v9 =	vmax.f32 v13, v9;
	v13 =	vsel vm5, $0x1, v0;
	v10 =	vld [tilespmem:s11+$0x70];
	v12 =	vadd.s32 v12, v11  }
.Ltmp1:
0x4b: {  	v22 =	vmax.f32 v9, v7;
	v11 =	vld [tilespmem:s11+$0x60];
	v23 =	vadd.s32 v13, v12;
	v13 =	vsel vm4, $0x1, v0;
	(pc) =	sbr.rel @p0 .LBB2_3-.Ltmp1, $4  }
0x4c: {  	v21 =	vsel vm3, $0x1, v0;
	v20 =	vmax.f32 v22, v5;
	v5 =	vmovc v16;
	v12 =	vld [tilespmem:s11+$0x50];
	v22 =	vadd.s32 v13, v23;
	v7 =	vmovc v15  }
0x4d: {  	v15 =	vmax.f32 v20, v3;
	v20 =	vsel vm2, $0x1, v0;
	v3 =	vmovc v17;
	v13 =	vld [tilespmem:s11+$0x40];
	v16 =	vadd.s32 v21, v22;
	v9 =	vmovc v14  }
0x4e: {  	v17 =	vmax.f32 v15, v2;
	v21 =	vsel vm1, $0x1, v0;
	v2 =	vmovc v18;
	v14 =	vld [tilespmem:s11+$0x30];
	v20 =	vadd.s32 v20, v16  }
0x4f: {  	s12 =	sadd.s32 $0x400, s12;
	v18 =	vsel vm0, $0x1, v0;
	v16 =	vmax.f32 v17, v1;
	v1 =	vmovc v19;
	v15 =	vld [tilespmem:s11+$0x20];
	v17 =	vadd.s32 v21, v20  }
0x50: {  	v19 =	vld [tilespmem:s11+$0x0];
	v4 =	vmax.f32 v16, v4;
	v37 =	vadd.s32 v18, v17  }
0x51: {  	v38 =	vld [tilespmem:s11+$0x10];
	vm1 =	vge.f32 v1, $0.0e+00;
	vm0 =	vge.f32 v6, $0.0e+00;
	vm4 =	vge.f32 v5, $0.0e+00  }
0x52: {  	vm3 =	vge.f32 v3, $0.0e+00;
	vm2 =	vge.f32 v2, $0.0e+00;
	vm7 =	vge.f32 v8, $0.0e+00  }
0x53: {  	vm6 =	vge.f32 v9, $0.0e+00;
	vm5 =	vge.f32 v7, $0.0e+00;
	vm9 =	vge.f32 v11, $0.0e+00  }
0x54: {  	vm10 =	vge.f32 v10, $0.0e+00;
	vm8 =	vge.f32 v12, $0.0e+00;
	vm13 =	vge.f32 v13, $0.0e+00  }
0x55: {  	vm12 =	vge.f32 v14, $0.0e+00;
	vm14 =	vge.f32 v15, $0.0e+00;
	vm11 =	vge.f32 v19, $0.0e+00  }
0x56: {  	v4 =	vmax.f32 v4, v19;
	v39 =	vsel vm11, $0x1, v0;
	vm11 =	vge.f32 v38, $0.0e+00  }
0x57: {  	v4 =	vmax.f32 v4, v38;
	v16 =	vadd.s32 v39, v37;
	v40 =	vsel vm11, $0x1, v0  }
0x58: {  	v41 =	vsel vm14, $0x1, v0;
	v4 =	vmax.f32 v4, v15;
	v16 =	vadd.s32 v40, v16  }
0x59: {  	v43 =	vsel vm12, $0x1, v0;
	v4 =	vmax.f32 v4, v14;
	v42 =	vadd.s32 v41, v16  }
0x5a: {  	v45 =	vsel vm13, $0x1, v0;
	v4 =	vmax.f32 v4, v13;
	v44 =	vadd.s32 v43, v42  }
0x5b: {  	v47 =	vsel vm8, $0x1, v0;
	v4 =	vmax.f32 v4, v12;
	v46 =	vadd.s32 v45, v44  }
0x5c: {  	v49 =	vsel vm9, $0x1, v0;
	v4 =	vmax.f32 v4, v11;
	v48 =	vadd.s32 v47, v46  }
0x5d: {  	v51 =	vsel vm10, $0x1, v0;
	v4 =	vmax.f32 v4, v10;
	v50 =	vadd.s32 v49, v48  }
0x5e: {  	v53 =	vsel vm7, $0x1, v0;
	v4 =	vmax.f32 v4, v8;
	v52 =	vadd.s32 v51, v50  }
0x5f: {  	v55 =	vsel vm6, $0x1, v0;
	v4 =	vmax.f32 v4, v9;
	v54 =	vadd.s32 v53, v52  }
0x60: {  	v56 =	vsel vm5, $0x1, v0;
	v4 =	vmax.f32 v4, v7;
	v8 =	vadd.s32 v55, v54  }
0x61: {  	v58 =	vsel vm4, $0x1, v0;
	v4 =	vmax.f32 v4, v5;
	v57 =	vadd.s32 v56, v8  }
0x62: {  	v60 =	vsel vm3, $0x1, v0;
	v3 =	vmax.f32 v4, v3;
	v59 =	vadd.s32 v58, v57  }
0x63: {  	v62 =	vsel vm2, $0x1, v0;
	v2 =	vmax.f32 v3, v2;
	v61 =	vadd.s32 v60, v59  }
0x64: {  	v63 =	vsel vm1, $0x1, v0;
	v1 =	vmax.f32 v2, v1;
	v3 =	vadd.s32 v62, v61  }
0x65: {  	v1 =	vmax.f32 v1, v6;
	v2 =	vadd.s32 v63, v3;
	v3 =	vsel vm0, $0x1, v0  }
0x66: {  	(xrf0) =	vmax.scan.msk.f32 $0xffff, v1;
	v2 =	vadd.s32 v3, v2  }
0x67: {  	(xrf0) =	vadd.scan.msk.s32 $0xffff, v2;
	_ =	sdelay $0x4  }
0x68: {  	v1, _, _ =	vpop (xrf0)  }
0x69: {  	v2, _, _ =	vpop (xrf0)  }
0x6a: {  	(v2sf) =	vpush v2, $0xF  }
0x6b: {  	(v2sf) =	vpush v1, $0xF;
	_ =	sdelay $0xd  }
0x6c: {  	s11 =	spop (v2sf)  }
0x6d: {  	s13 =	spop (v2sf)  }
0x6e: {  	s17 =	sadd.s32 $0x1, s13  }
0x6f: {  	p1 =	slt.s32 s17, $0x2  }
.Ltmp2:
0x70: {  	s12 =	ssub.s32 $0x1000, s11;
	(pc) =	sbr.rel @p1 .LBB2_8-.Ltmp2, $4  }
0x71: {  	p0 =	sgt.s32 s12, $0x1;
	s14 =	smov.u32 s12  }
0x72: {  	s14 =	simm.s32 @!p0 $0x1  }
0x73: {  	s16 =	simm.s32 $0x0;
	s13 =	smov.u32 s11;
	p0 =	slt.s32 s14, s11  }
0x74: {  	s15 =	smov.u32 s17;
	s13 =	smov.u32 @p0 s14;
	s14 =	simm.f32 $0.0e+00  }
.LBB2_5:
0x75: {  	s14 =	sshrl.u32 s17, $0x1;
	v2 =	vld [tilespmem:s19+$0x0]  }
0x76: {  	v3 =	vld [tilespmem:s19+$0x10];
	s17 =	sadd.s32 s16, s14  }
0x77: {  	v4 =	vld [tilespmem:s19+$0x20];
	v1 =	vmov s17  }
0x78: {  	v5 =	vld [tilespmem:s19+$0x30];
	v1 =	vbroadcast v1, $0x0  }
0x79: {  	v6 =	vld [tilespmem:s19+$0x40]  }
0x7a: {  	vm0 =	vge.f32 v2, v1;
	v2 =	vld [tilespmem:s19+$0x50]  }
0x7b: {  	v7 =	vimm.s32 $0x0;
	v8 =	vsel vm0, $0x1, v0;
	vm0 =	vge.f32 v3, v1;
	v3 =	vld [tilespmem:s19+$0x60]  }
0x7c: {  	v7 =	vadd.s32 v8, v7;
	v8 =	vsel vm0, $0x1, v0;
	vm0 =	vge.f32 v4, v1;
	v4 =	vld [tilespmem:s19+$0x70]  }
0x7d: {  	v7 =	vadd.s32 v8, v7;
	v8 =	vsel vm0, $0x1, v0;
	vm0 =	vge.f32 v5, v1;
	v5 =	vld [tilespmem:s19+$0x80]  }
0x7e: {  	v7 =	vadd.s32 v8, v7;
	v8 =	vsel vm0, $0x1, v0;
	vm0 =	vge.f32 v6, v1;
	v6 =	vld [tilespmem:s19+$0x90]  }
0x7f: {  	v9 =	vld [tilespmem:s19+$0xA0];
	v7 =	vadd.s32 v8, v7;
	v8 =	vsel vm0, $0x1, v0;
	vm0 =	vge.f32 v2, v1  }
0x80: {  	v2 =	vld [tilespmem:s19+$0xB0];
	v7 =	vadd.s32 v8, v7;
	v8 =	vsel vm0, $0x1, v0;
	vm0 =	vge.f32 v3, v1  }
0x81: {  	v3 =	vld [tilespmem:s19+$0xC0];
	v7 =	vadd.s32 v8, v7;
	v8 =	vsel vm0, $0x1, v0;
	vm0 =	vge.f32 v4, v1  }
0x82: {  	v4 =	vld [tilespmem:s19+$0xD0];
	v7 =	vadd.s32 v8, v7;
	v8 =	vsel vm0, $0x1, v0;
	vm0 =	vge.f32 v5, v1  }
0x83: {  	v5 =	vld [tilespmem:s19+$0xE0];
	v7 =	vadd.s32 v8, v7;
	v8 =	vsel vm0, $0x1, v0;
	vm0 =	vge.f32 v6, v1  }
0x84: {  	s18 =	simm.s32 $0x800;
	s14 =	simm.s32 $0x100;
	v6 =	vld [tilespmem:s19+$0xF0];
	v7 =	vadd.s32 v8, v7;
	v8 =	vsel vm0, $0x1, v0;
	vm0 =	vge.f32 v9, v1  }
.LBB2_6:
0x85: {  	p0 =	sne.s32 s18, $0x3C00;
	v9 =	vld [tilespmem:s14+$0x0];
	v7 =	vadd.s32 v8, v7;
	v8 =	vsel vm0, $0x1, v0;
	vm0 =	vge.f32 v2, v1  }
0x86: {  	v2 =	vld [tilespmem:s14+$0x10];
	v7 =	vadd.s32 v8, v7;
	v8 =	vsel vm0, $0x1, v0;
	vm0 =	vge.f32 v3, v1  }
0x87: {  	v3 =	vld [tilespmem:s14+$0x20];
	v7 =	vadd.s32 v8, v7;
	v8 =	vsel vm0, $0x1, v0;
	vm0 =	vge.f32 v4, v1  }
0x88: {  	v4 =	vld [tilespmem:s14+$0x30];
	v7 =	vadd.s32 v8, v7;
	v8 =	vsel vm0, $0x1, v0;
	vm0 =	vge.f32 v5, v1  }
0x89: {  	v5 =	vld [tilespmem:s14+$0x40];
	v7 =	vadd.s32 v8, v7;
	v8 =	vsel vm0, $0x1, v0;
	vm0 =	vge.f32 v6, v1  }
0x8a: {  	vm1 =	vge.f32 v9, v1;
	v6 =	vld [tilespmem:s14+$0x50];
	v7 =	vadd.s32 v8, v7;
	v8 =	vsel vm0, $0x1, v0  }
0x8b: {  	v9 =	vsel vm1, $0x1, v0;
	vm0 =	vge.f32 v2, v1;
	v2 =	vld [tilespmem:s14+$0x60];
	v7 =	vadd.s32 v8, v7  }
0x8c: {  	v7 =	vadd.s32 v9, v7;
	v8 =	vsel vm0, $0x1, v0;
	vm0 =	vge.f32 v3, v1;
	v3 =	vld [tilespmem:s14+$0x70]  }
0x8d: {  	v7 =	vadd.s32 v8, v7;
	v8 =	vsel vm0, $0x1, v0;
	vm0 =	vge.f32 v4, v1;
	v4 =	vld [tilespmem:s14+$0x80]  }
0x8e: {  	v7 =	vadd.s32 v8, v7;
	v8 =	vsel vm0, $0x1, v0;
	vm0 =	vge.f32 v5, v1;
	v5 =	vld [tilespmem:s14+$0x90]  }
0x8f: {  	v7 =	vadd.s32 v8, v7;
	v8 =	vsel vm0, $0x1, v0;
	vm0 =	vge.f32 v6, v1;
	v6 =	vld [tilespmem:s14+$0xA0]  }
.Ltmp3:
0x90: {  	v7 =	vadd.s32 v8, v7;
	v8 =	vsel vm0, $0x1, v0;
	vm0 =	vge.f32 v2, v1;
	v2 =	vld [tilespmem:s14+$0xB0];
	(pc) =	sbr.rel @p0 .LBB2_6-.Ltmp3, $4  }
0x91: {  	v7 =	vadd.s32 v8, v7;
	v8 =	vsel vm0, $0x1, v0;
	vm0 =	vge.f32 v3, v1;
	v3 =	vld [tilespmem:s14+$0xC0]  }
0x92: {  	v7 =	vadd.s32 v8, v7;
	v8 =	vsel vm0, $0x1, v0;
	vm0 =	vge.f32 v4, v1;
	v4 =	vld [tilespmem:s14+$0xD0]  }
0x93: {  	v7 =	vadd.s32 v8, v7;
	v8 =	vsel vm0, $0x1, v0;
	vm0 =	vge.f32 v5, v1;
	v5 =	vld [tilespmem:s14+$0xE0]  }
0x94: {  	v7 =	vadd.s32 v8, v7;
	v8 =	vsel vm0, $0x1, v0;
	vm0 =	vge.f32 v6, v1;
	v6 =	vld [tilespmem:s14+$0xF0];
	s14 =	sshra.s32 s18, $0x2;
	s18 =	sadd.s32 $0x400, s18  }
0x95: {  	v9 =	vld [tilespmem:s14+$0x0];
	v7 =	vadd.s32 v8, v7;
	v38 =	vsel vm0, $0x1, v0;
	vm8 =	vge.f32 v2, v1  }
0x96: {  	v2 =	vld [tilespmem:s14+$0x10];
	v7 =	vadd.s32 v38, v7;
	v39 =	vsel vm8, $0x1, v0;
	vm9 =	vge.f32 v3, v1  }
0x97: {  	v3 =	vld [tilespmem:s14+$0x20];
	v7 =	vadd.s32 v39, v7;
	v40 =	vsel vm9, $0x1, v0;
	vm10 =	vge.f32 v4, v1  }
0x98: {  	v41 =	vld [tilespmem:s14+$0x30];
	v7 =	vadd.s32 v40, v7;
	v42 =	vsel vm10, $0x1, v0;
	vm11 =	vge.f32 v5, v1  }
0x99: {  	v43 =	vld [tilespmem:s14+$0x40];
	v7 =	vadd.s32 v42, v7;
	v44 =	vsel vm11, $0x1, v0;
	vm12 =	vge.f32 v6, v1  }
0x9a: {  	v45 =	vld [tilespmem:s14+$0x50];
	vm1 =	vge.f32 v9, v1;
	v7 =	vadd.s32 v44, v7;
	v46 =	vsel vm12, $0x1, v0  }
0x9b: {  	vm13 =	vge.f32 v2, v1;
	v2 =	vld [tilespmem:s14+$0x60];
	v9 =	vsel vm1, $0x1, v0;
	v7 =	vadd.s32 v46, v7  }
0x9c: {  	v47 =	vsel vm13, $0x1, v0;
	vm14 =	vge.f32 v3, v1;
	v3 =	vld [tilespmem:s14+$0x70];
	v7 =	vadd.s32 v9, v7  }
0x9d: {  	v49 =	vld [tilespmem:s14+$0x80];
	vm15 =	vge.f32 v41, v1;
	v48 =	vsel vm14, $0x1, v0;
	v7 =	vadd.s32 v47, v7  }
0x9e: {  	v51 =	vld [tilespmem:s14+$0x90];
	vm4 =	vge.f32 v43, v1;
	v50 =	vsel vm15, $0x1, v0;
	v7 =	vadd.s32 v48, v7  }
0x9f: {  	v53 =	vld [tilespmem:s14+$0xA0];
	vm5 =	vge.f32 v45, v1;
	v52 =	vsel vm4, $0x1, v0;
	v7 =	vadd.s32 v50, v7  }
0xa0: {  	v54 =	vsel vm5, $0x1, v0;
	vm6 =	vge.f32 v2, v1;
	v2 =	vld [tilespmem:s14+$0xB0];
	v7 =	vadd.s32 v52, v7  }
0xa1: {  	v55 =	vsel vm6, $0x1, v0;
	vm7 =	vge.f32 v3, v1;
	v3 =	vld [tilespmem:s14+$0xC0];
	v7 =	vadd.s32 v54, v7  }
0xa2: {  	v57 =	vld [tilespmem:s14+$0xD0];
	vm8 =	vge.f32 v49, v1;
	v56 =	vsel vm7, $0x1, v0;
	v7 =	vadd.s32 v55, v7  }
0xa3: {  	v59 =	vld [tilespmem:s14+$0xE0];
	vm9 =	vge.f32 v51, v1;
	v58 =	vsel vm8, $0x1, v0;
	v7 =	vadd.s32 v56, v7  }
0xa4: {  	v61 =	vld [tilespmem:s14+$0xF0];
	vm10 =	vge.f32 v53, v1;
	v60 =	vsel vm9, $0x1, v0;
	v7 =	vadd.s32 v58, v7  }
0xa5: {  	v62 =	vsel vm10, $0x1, v0;
	vm11 =	vge.f32 v2, v1;
	v7 =	vadd.s32 v60, v7  }
0xa6: {  	v63 =	vsel vm11, $0x1, v0;
	vm12 =	vge.f32 v3, v1;
	v2 =	vadd.s32 v62, v7  }
0xa7: {  	vm13 =	vge.f32 v57, v1;
	v3 =	vsel vm12, $0x1, v0;
	v2 =	vadd.s32 v63, v2  }
0xa8: {  	vm14 =	vge.f32 v59, v1;
	v2 =	vadd.s32 v3, v2;
	v3 =	vsel vm13, $0x1, v0  }
0xa9: {  	vm15 =	vge.f32 v61, v1;
	v2 =	vadd.s32 v3, v2;
	v3 =	vsel vm14, $0x1, v0  }
0xaa: {  	v1 =	vadd.s32 v3, v2;
	v2 =	vsel vm15, $0x1, v0  }
0xab: {  	v1 =	vadd.s32 v2, v1  }
0xac: {  	(xrf0) =	vadd.scan.msk.s32 $0xffff, v1;
	_ =	sdelay $0x5  }
0xad: {  	v1, _, _ =	vpop (xrf0)  }
0xae: {  	(v2sf) =	vpush v1, $0xF;
	_ =	sdelay $0xe  }
0xaf: {  	s31 =	spop (v2sf)  }
0xb0: {  	s14 =	smov.u32 s17;
	p0 =	slt.s32 s31, s13  }
0xb1: {  	s14 =	smov.u32 @p0 s16;
	s15 =	smov.u32 @p0 s17  }
0xb2: {  	s17 =	ssub.s32 s15, s14  }
0xb3: {  	p0 =	sgt.s32 s17, $0x1  }
.Ltmp4:
0xb4: {  	_ = 	snop;
	(pc) =	sbr.rel @p0 .LBB2_5-.Ltmp4, $2  }
0xb5: {  	_ =	sdelay $0x2  }
0xb6: {  	s16 =	smov.u32 s14  }
.LBB2_8:
0xb7: {  	s15 =	simm.s32 $0x0  }
0xb8: {  	v4 =	vld [tilespmem:s15+$0x0];
	_ =	sdelay $0x1  }
0xb9: {  	v5 =	vld [tilespmem:s15+$0x10];
	_ =	sdelay $0x1  }
0xba: {  	v1 =	vmov s14;
	v6 =	vld [tilespmem:s15+$0x20]  }
0xbb: {  	vm5 =	vgt.f32 v4, v1  }
0xbc: {  	v7 =	vimm.f32 $0.0e+00;
	v8 =	vld [tilespmem:s15+$0x30];
	v4 =	vnsel vm5, $0x0, v4  }
0xbd: {  	v2 =	vld [tilespmem:s15+$0xF0];
	vm6 =	vgt.f32 v5, v1;
	v7 =	vadd.f32 v4, v7  }
0xbe: {  	v9 =	vld [tilespmem:s15+$0x40];
	v5 =	vnsel vm6, $0x0, v5  }
0xbf: {  	v3 =	vld [tilespmem:s15+$0xE0];
	vm7 =	vgt.f32 v6, v1;
	v5 =	vadd.f32 v5, v7  }
0xc0: {  	v10 =	vld [tilespmem:s15+$0x50];
	v6 =	vnsel vm7, $0x0, v6  }
0xc1: {  	v11 =	vld [tilespmem:s15+$0x60];
	vm8 =	vgt.f32 v8, v1;
	v5 =	vadd.f32 v6, v5  }
0xc2: {  	v12 =	vld [tilespmem:s15+$0x70];
	v8 =	vnsel vm8, $0x0, v8  }
0xc3: {  	v48 =	vld [tilespmem:s15+$0x90];
	vm9 =	vgt.f32 v9, v1;
	v5 =	vadd.f32 v8, v5  }
0xc4: {  	v9 =	vnsel vm9, $0x0, v9  }
0xc5: {  	v14 =	vld [tilespmem:s15+$0x80];
	vm10 =	vgt.f32 v10, v1;
	v5 =	vadd.f32 v9, v5  }
0xc6: {  	v13 =	vimm.s32 $0x0;
	vm0 =	vgt.f32 v2, v1;
	v10 =	vnsel vm10, $0x0, v10  }
0xc7: {  	vm12 =	vgt.f32 v11, v1;
	vm1 =	vgt.f32 v3, v1;
	v5 =	vadd.f32 v10, v5  }
0xc8: {  	vm13 =	vgt.f32 v12, v1;
	vm14 =	vgt.f32 v48, v1;
	v49 =	vnsel vm12, $0x0, v11  }
0xc9: {  	v50 =	vnsel vm13, $0x0, v12;
	v51 =	vsel vm5, $0x1, v0;
	v5 =	vadd.f32 v49, v5  }
0xca: {  	vm5 =	vgt.f32 v14, v1;
	v53 =	vsel vm6, $0x1, v0;
	v55 =	vsel vm7, $0x1, v0;
	v8 =	vld [tilespmem:s15+$0xA0]  }
0xcb: {  	v56 =	vsel vm8, $0x1, v0;
	v57 =	vsel vm9, $0x1, v0;
	v5 =	vadd.f32 v50, v5  }
0xcc: {  	v59 =	vsel vm10, $0x1, v0;
	v52 =	vadd.s32 v51, v13;
	v54 =	vnsel vm5, $0x0, v14;
	v6 =	vld [tilespmem:s15+$0xB0]  }
0xcd: {  	v60 =	vsel vm12, $0x1, v0;
	v4 =	vld [tilespmem:s15+$0xD0];
	v10 =	vadd.s32 v53, v52;
	v5 =	vadd.f32 v54, v5  }
0xce: {  	v61 =	vsel vm13, $0x1, v0;
	v7 =	vld [tilespmem:s15+$0xC0];
	v9 =	vnsel vm14, $0x0, v48;
	v10 =	vadd.s32 v55, v10  }
0xcf: {  	vm11 =	vgt.f32 v8, v1;
	v10 =	vadd.s32 v56, v10;
	v5 =	vadd.f32 v9, v5  }
0xd0: {  	v62 =	vsel vm5, $0x1, v0;
	v8 =	vnsel vm11, $0x0, v8;
	v58 =	vadd.s32 v57, v10  }
0xd1: {  	vm4 =	vgt.f32 v6, v1;
	v9 =	vadd.s32 v59, v58;
	v5 =	vadd.f32 v8, v5  }
0xd2: {  	vm2 =	vgt.f32 v4, v1;
	v6 =	vnsel vm4, $0x0, v6;
	v8 =	vadd.s32 v60, v9  }
0xd3: {  	vm3 =	vgt.f32 v7, v1;
	v8 =	vadd.s32 v61, v8;
	v63 =	vadd.f32 v6, v5  }
0xd4: {  	v7 =	vnsel vm3, $0x0, v7;
	v5 =	vadd.s32 v62, v8;
	v6 =	vsel vm14, $0x1, v0  }
0xd5: {  	s16 =	simm.s32 $0x100;
	s15 =	simm.s32 $0x800;
	v5 =	vadd.s32 v6, v5;
	v6 =	vsel vm11, $0x1, v0;
	v7 =	vadd.f32 v7, v63  }
.LBB2_9:
0xd6: {  	p0 =	sne.s32 s15, $0x3C00;
	v8 =	vld [tilespmem:s16+$0x0];
	v5 =	vadd.s32 v6, v5;
	v6 =	vsel vm4, $0x1, v0;
	v4 =	vnsel vm2, $0x0, v4  }
0xd7: {  	v5 =	vadd.s32 v6, v5;
	v6 =	vsel vm3, $0x1, v0;
	v4 =	vadd.f32 v4, v7  }
0xd8: {  	v3 =	vnsel vm1, $0x0, v3;
	v7 =	vld [tilespmem:s16+$0x10];
	v5 =	vadd.s32 v6, v5;
	v6 =	vsel vm2, $0x1, v0  }
0xd9: {  	v9 =	vld [tilespmem:s16+$0xF0];
	v5 =	vadd.s32 v6, v5;
	v4 =	vadd.f32 v3, v4;
	v3 =	vsel vm1, $0x1, v0  }
0xda: {  	v2 =	vnsel vm0, $0x0, v2;
	v10 =	vsel vm0, $0x1, v0;
	v6 =	vld [tilespmem:s16+$0x20];
	v5 =	vadd.s32 v3, v5  }
0xdb: {  	vm5 =	vgt.f32 v8, v1;
	v3 =	vld [tilespmem:s16+$0xE0];
	v12 =	vadd.f32 v2, v4;
	v5 =	vadd.s32 v10, v5  }
0xdc: {  	v4 =	vnsel vm5, $0x0, v8;
	v8 =	vld [tilespmem:s16+$0x30]  }
0xdd: {  	v10 =	vadd.f32 v4, v12;
	vm6 =	vgt.f32 v7, v1;
	v4 =	vld [tilespmem:s16+$0xD0]  }
0xde: {  	v7 =	vnsel vm6, $0x0, v7;
	v11 =	vld [tilespmem:s16+$0x40];
	v2 =	vmov v9  }
0xdf: {  	v7 =	vadd.f32 v7, v10;
	vm7 =	vgt.f32 v6, v1;
	v9 =	vld [tilespmem:s16+$0xC0]  }
0xe0: {  	v6 =	vnsel vm7, $0x0, v6;
	v10 =	vld [tilespmem:s16+$0x50]  }
0xe1: {  	v6 =	vadd.f32 v6, v7;
	vm8 =	vgt.f32 v8, v1;
	v7 =	vld [tilespmem:s16+$0xB0]  }
0xe2: {  	v8 =	vnsel vm8, $0x0, v8;
	v12 =	vld [tilespmem:s16+$0x60]  }
0xe3: {  	v6 =	vadd.f32 v8, v6;
	vm9 =	vgt.f32 v11, v1;
	v8 =	vld [tilespmem:s16+$0xA0]  }
0xe4: {  	v11 =	vnsel vm9, $0x0, v11;
	v13 =	vld [tilespmem:s16+$0x70]  }
0xe5: {  	v6 =	vadd.f32 v11, v6;
	vm11 =	vgt.f32 v10, v1;
	v11 =	vld [tilespmem:s16+$0x90]  }
0xe6: {  	vm0 =	vgt.f32 v2, v1;
	v10 =	vnsel vm11, $0x0, v10;
	v14 =	vld [tilespmem:s16+$0x80]  }
0xe7: {  	vm1 =	vgt.f32 v3, v1;
	v6 =	vadd.f32 v10, v6;
	vm12 =	vgt.f32 v12, v1  }
0xe8: {  	vm2 =	vgt.f32 v4, v1;
	vm3 =	vgt.f32 v9, v1;
	v10 =	vnsel vm12, $0x0, v12  }
0xe9: {  	vm4 =	vgt.f32 v7, v1;
	v6 =	vadd.f32 v10, v6;
	vm14 =	vgt.f32 v13, v1  }
0xea: {  	vm10 =	vgt.f32 v8, v1;
	v10 =	vnsel vm14, $0x0, v13;
	vm13 =	vgt.f32 v11, v1  }
0xeb: {  	v12 =	vsel vm5, $0x1, v0;
	v6 =	vadd.f32 v10, v6;
	vm5 =	vgt.f32 v14, v1  }
0xec: {  	v5 =	vadd.s32 v12, v5;
	v10 =	vsel vm6, $0x1, v0;
	v12 =	vnsel vm5, $0x0, v14  }
0xed: {  	v5 =	vadd.s32 v10, v5;
	v10 =	vsel vm7, $0x1, v0;
	v6 =	vadd.f32 v12, v6  }
0xee: {  	v11 =	vnsel vm13, $0x0, v11;
	v5 =	vadd.s32 v10, v5;
	v10 =	vsel vm8, $0x1, v0  }
0xef: {  	v5 =	vadd.s32 v10, v5;
	v10 =	vsel vm9, $0x1, v0;
	v6 =	vadd.f32 v11, v6  }
0xf0: {  	v8 =	vnsel vm10, $0x0, v8;
	v5 =	vadd.s32 v10, v5;
	v10 =	vsel vm11, $0x1, v0  }
.Ltmp5:
0xf1: {  	v5 =	vadd.s32 v10, v5;
	v10 =	vsel vm12, $0x1, v0;
	v6 =	vadd.f32 v8, v6;
	(pc) =	sbr.rel @p0 .LBB2_9-.Ltmp5, $4  }
0xf2: {  	v7 =	vnsel vm4, $0x0, v7;
	v5 =	vadd.s32 v10, v5;
	v8 =	vsel vm14, $0x1, v0  }
0xf3: {  	v5 =	vadd.s32 v8, v5;
	v8 =	vsel vm5, $0x1, v0;
	v7 =	vadd.f32 v7, v6  }
0xf4: {  	v5 =	vadd.s32 v8, v5;
	v6 =	vsel vm13, $0x1, v0;
	v8 =	vnsel vm3, $0x0, v9  }
0xf5: {  	s16 =	sshra.s32 s15, $0x2;
	s15 =	sadd.s32 $0x400, s15;
	v5 =	vadd.s32 v6, v5;
	v6 =	vsel vm10, $0x1, v0;
	v7 =	vadd.f32 v8, v7  }
0xf6: {  	v8 =	vld [tilespmem:s16+$0x0];
	v4 =	vnsel vm2, $0x0, v4  }
0xf7: {  	v4 =	vadd.f32 v4, v7  }
0xf8: {  	v39 =	vld [tilespmem:s16+$0x10];
	v3 =	vnsel vm1, $0x0, v3  }
0xf9: {  	v3 =	vadd.f32 v3, v4  }
0xfa: {  	v40 =	vld [tilespmem:s16+$0x20];
	v2 =	vnsel vm0, $0x0, v2  }
0xfb: {  	vm5 =	vgt.f32 v8, v1;
	v2 =	vadd.f32 v2, v3  }
0xfc: {  	v41 =	vld [tilespmem:s16+$0x30];
	v3 =	vnsel vm5, $0x0, v8  }
0xfd: {  	vm6 =	vgt.f32 v39, v1;
	v2 =	vadd.f32 v3, v2  }
0xfe: {  	v42 =	vld [tilespmem:s16+$0x40];
	v3 =	vnsel vm6, $0x0, v39  }
0xff: {  	vm7 =	vgt.f32 v40, v1;
	v2 =	vadd.f32 v3, v2  }
0x100: {  	v43 =	vld [tilespmem:s16+$0x50];
	v3 =	vnsel vm7, $0x0, v40  }
0x101: {  	vm8 =	vgt.f32 v41, v1;
	v2 =	vadd.f32 v3, v2  }
0x102: {  	v44 =	vld [tilespmem:s16+$0x60];
	v3 =	vnsel vm8, $0x0, v41  }
0x103: {  	v46 =	vld [tilespmem:s16+$0x70];
	vm9 =	vgt.f32 v42, v1;
	v2 =	vadd.f32 v3, v2  }
0x104: {  	v9 =	vld [tilespmem:s16+$0xF0];
	v45 =	vnsel vm9, $0x0, v42  }
0x105: {  	v47 =	vsel vm4, $0x1, v0;
	v48 =	vld [tilespmem:s16+$0x80];
	vm4 =	vgt.f32 v43, v1;
	v2 =	vadd.f32 v45, v2  }
0x106: {  	v50 =	vld [tilespmem:s16+$0x90];
	v4 =	vnsel vm4, $0x0, v43  }
0x107: {  	v49 =	vsel vm3, $0x1, v0;
	v10 =	vld [tilespmem:s16+$0xE0];
	vm3 =	vgt.f32 v44, v1;
	v2 =	vadd.f32 v4, v2  }
0x108: {  	v52 =	vsel vm2, $0x1, v0;
	v53 =	vld [tilespmem:s16+$0xA0];
	v51 =	vnsel vm3, $0x0, v44  }
0x109: {  	v54 =	vsel vm1, $0x1, v0;
	v12 =	vld [tilespmem:s16+$0xC0];
	vm2 =	vgt.f32 v46, v1;
	v2 =	vadd.f32 v51, v2  }
0x10a: {  	v11 =	vld [tilespmem:s16+$0xD0];
	v56 =	vsel vm0, $0x1, v0;
	v3 =	vadd.s32 v6, v5;
	v6 =	vnsel vm2, $0x0, v46  }
0x10b: {  	v55 =	vld [tilespmem:s16+$0xB0];
	vm11 =	vgt.f32 v48, v1;
	vm13 =	vgt.f32 v50, v1;
	v2 =	vadd.f32 v6, v2  }
0x10c: {  	vm0 =	vgt.f32 v9, v1;
	vm1 =	vgt.f32 v10, v1;
	v5 =	vnsel vm11, $0x0, v48  }
0x10d: {  	vm14 =	vgt.f32 v53, v1;
	v3 =	vadd.s32 v47, v3;
	v2 =	vadd.f32 v5, v2  }
0x10e: {  	vm12 =	vgt.f32 v12, v1;
	v3 =	vadd.s32 v49, v3;
	v4 =	vnsel vm13, $0x0, v50  }
0x10f: {  	vm10 =	vgt.f32 v11, v1;
	v3 =	vadd.s32 v52, v3;
	v2 =	vadd.f32 v4, v2  }
0x110: {  	vm15 =	vgt.f32 v55, v1;
	v57 =	vnsel vm14, $0x0, v53;
	v3 =	vadd.s32 v54, v3  }
0x111: {  	v58 =	vsel vm5, $0x1, v0;
	v3 =	vadd.s32 v56, v3;
	v1 =	vadd.f32 v57, v2  }
0x112: {  	v59 =	vnsel vm15, $0x0, v55;
	v2 =	vadd.s32 v58, v3;
	v3 =	vsel vm6, $0x1, v0  }
0x113: {  	v2 =	vadd.s32 v3, v2;
	v3 =	vsel vm7, $0x1, v0;
	v1 =	vadd.f32 v59, v1  }
0x114: {  	v60 =	vnsel vm12, $0x0, v12;
	v2 =	vadd.s32 v3, v2;
	v3 =	vsel vm8, $0x1, v0  }
0x115: {  	v2 =	vadd.s32 v3, v2;
	v3 =	vsel vm9, $0x1, v0;
	v1 =	vadd.f32 v60, v1  }
0x116: {  	v61 =	vnsel vm10, $0x0, v11;
	v2 =	vadd.s32 v3, v2;
	v3 =	vsel vm4, $0x1, v0  }
0x117: {  	v2 =	vadd.s32 v3, v2;
	v3 =	vsel vm3, $0x1, v0;
	v1 =	vadd.f32 v61, v1  }
0x118: {  	v62 =	vnsel vm1, $0x0, v10;
	v2 =	vadd.s32 v3, v2;
	v3 =	vsel vm2, $0x1, v0  }
0x119: {  	v2 =	vadd.s32 v3, v2;
	v3 =	vsel vm11, $0x1, v0;
	v1 =	vadd.f32 v62, v1  }
0x11a: {  	v63 =	vnsel vm0, $0x0, v9;
	v2 =	vadd.s32 v3, v2;
	v3 =	vsel vm13, $0x1, v0  }
0x11b: {  	v2 =	vadd.s32 v3, v2;
	v3 =	vsel vm14, $0x1, v0;
	v1 =	vadd.f32 v63, v1  }
0x11c: {  	v2 =	vadd.s32 v3, v2;
	v3 =	vsel vm15, $0x1, v0  }
0x11d: {  	v2 =	vadd.s32 v3, v2;
	v3 =	vsel vm12, $0x1, v0;
	(xrf2) =	vadd.scan.msk.f32 $0xffff, v1  }
0x11e: {  	v1 =	vadd.s32 v3, v2;
	v2 =	vsel vm10, $0x1, v0  }
0x11f: {  	v1 =	vadd.s32 v2, v1;
	v2 =	vsel vm1, $0x1, v0  }
0x120: {  	v1 =	vadd.s32 v2, v1;
	v2 =	vsel vm0, $0x1, v0  }
0x121: {  	v1 =	vadd.s32 v2, v1  }
0x122: {  	(xrf0) =	vadd.scan.msk.s32 $0xffff, v1;
	_ =	sdelay $0x4  }
0x123: {  	v1, _, _ =	vpop (xrf2)  }
0x124: {  	(v2sf) =	vpush v1, $0xF;
	v1, _, _ =	vpop (xrf0)  }
0x125: {  	(v2sf) =	vpush v1, $0xF;
	_ =	sdelay $0x2  }
0x126: {  	v1 =	vld [tilespmem:$0x1000];
	_ =	sdelay $0x4  }
0x127: {  	(v2sf) =	vpush v1, $0x0;
	_ =	sdelay $0x3  }
0x128: {  	s12 =	sadd.s32 s12, s13  }
0x129: {  	s12 =	scvt.s32.f32 s12  }
0x12a: {  	s15 =	spop (v2sf)  }
0x12b: {  	v1 =	vmov s12;
	s29 =	spop (v2sf)  }
0x12c: {  	(erf) = vrcp.f32 v1;
	s30 =	ssub.s32 s13, s29  }
0x12d: {  	s12 =	scvt.s32.f32 s30;
	_ =	sdelay $0x1  }
0x12e: {  	s12 =	smul.f32 s12, s14;
	_ =	sdelay $0x1  }
0x12f: {  	s12 =	sadd.f32 s12, s15  }
0x130: {  	p0 =	sgt.s32 s11, $0x0  }
0x131: {  	s31 =	spop (v2sf);
	s12 =	simm.s32 @!p0 $0x0  }
0x132: {  	s11 =	sadd.f32 s31, s12  }
0x133: {  	v1 =	vpop (erf)  }
0x134: {  	s10 =	sadd.s32 $0x1, s10;
	v1 =	vmul.f32 s11, v1  }
0x135: {  	p0 =	sne.s32 s10, s5  }
.Ltmp6:
0x136: {  	[tilespmem:$0x1080] =	vst v1;
	(pc) =	sbr.rel @p0 .LBB2_2-.Ltmp6, $4  }
0x137: {  	[hbm4b:s2+s6] =	stream.linear.scatter [tilespmem:s9], [sflag:$0x1], $0x80, $0x38;
	[tilespmem:$0x1100] =	vst v63  }
0x138: {  	_ =	swait.ge [sflag:s7], $0x80  }
0x139: {  	[sflag:s7] =	ssyncset.done $0x0  }
0x13a: {  	[sflag:s7] =	ssyncadd.s32 $0xFFFFFF80  }
.LBB2_11:
0x13b: {  	_ =	sfence.sel $0x180000  }
0x13c: {  	[bflag:$0x0] =	sbarrier.arrive $0xFFFF  }
0x13d: {  	p0 =	sne.s32 s0, $0x0;
	_ =	strace $0x90000047  }
0x13e: {  	s0 =	sadd.s32 @!p0 $0x100000, s1;
	[bflag:$0x2] =	sbarrier.arrive $0xFFFF  }
0x13f: {  	[sflag:s0] =	ssyncadd.tile.s32 @!p0 $0x1;
	_ =	shalt  }
.Lfunc_end2:
_tile_overlayer_lowered:
.L_overlay_start_2:
0x140: {  	(tag) =	ssettag $0x2  }
0x141: {  	s0 =	rddreg [dreg:$0x0];
	s2 =	stileid.u32  }
0x142: {  	s1 =	rddreg [dreg:$0x1];
	p0 =	sne.s32 s2, $0x0  }
0x143: {  	s3 =	rddreg [dreg:$0x2];
	[bflag:$0x3] =	sbarrier.arrive $0xFFFF;
	s2 =	simm.s32 @!p0 $0x1C01  }
0x144: {  	[timem:s3], [sflag:s2] =	dma.local @!p0 [hbm:s0], s1  }
0x145: {  	s0 =	simm.s32 @!p0 $0x1  }
0x146: {  	_ =	swait.ge @!p0 [sflag:s0], s1  }
0x147: {  	s1 =	ssub.s32 @!p0 $0x0, s1;
	[sflag:s0] =	ssyncset.done @!p0 $0x0  }
0x148: {  	[sflag:s0] =	ssyncadd.s32 @!p0 s1  }
0x149: {  	[bflag:$0x3] =	sbarrier.arrive $0xFFFF  }
0x14a: {  	_ =	shalt  }

</sc_bundles>
